<compile_context>
chip_gen: v7x
topology: tpu7x:2x2x1
jax: 0.10.2.dev20260603
libtpu: 0.0.44.dev20260713+nightly
codegen_flags: <defaults>
</compile_context>

<pallas_src>
import functools

import jax
import jax.numpy as jnp
from jax import lax
from jax.experimental import pallas as pl
from jax.experimental.pallas import tpu as pltpu
from jax.experimental.pallas import tpu_sc as plsc

_NC = 2
_NS = 16
_NW = _NC * _NS

_B = 4096
_H = 200
_D = 32
_BB = _B // 128


@jax.jit
def _sc_embed(idx_view, weight):
    mesh = plsc.VectorSubcoreMesh(
        core_axis_name="c", subcore_axis_name="s", num_cores=_NC,
        num_subcores=_NS)

    @functools.partial(
        pl.kernel,
        out_type=jax.ShapeDtypeStruct((_H, 4, _BB, 8, 128), jnp.float32),
        mesh=mesh,
        scratch_types=[
            pltpu.VMEM((_H // 8, 8, 128), jnp.int32),
            pltpu.VMEM((128, _D), jnp.float32),
            pltpu.VMEM((128, _D), jnp.float32),
            pltpu.VMEM((_D, 129), jnp.float32),
            pltpu.VMEM((_D, 129), jnp.float32),
            pltpu.SemaphoreType.DMA,
            pltpu.SemaphoreType.DMA,
            pltpu.SemaphoreType.DMA,
            pltpu.SemaphoreType.DMA,
        ],
        compiler_params=pltpu.CompilerParams(
            use_tc_tiling_on_sc=False, needs_layout_passes=False),
    )
    def k(idx_hbm, table_hbm, out_hbm, idx_v, rows0, rows1, tb0, tb1,
          gsem0, gsem1, osem0, osem1):
        w = lax.axis_index("s") * _NC + lax.axis_index("c")
        rows_b = (rows0, rows1)
        tb_b = (tb0, tb1)
        gsem = (gsem0, gsem1)
        osem = (osem0, osem1)
        lanes = lax.iota(jnp.int32, 16)

        def gather_start(h, b):
            return pltpu.async_copy(
                table_hbm.at[idx_v.at[h // 8, h % 8]], rows_b[b], gsem[b])

        def gather_wait(b):
            pltpu.make_async_copy(
                table_hbm.at[pl.ds(0, 128)], rows_b[b], gsem[b]).wait()

        def out_start(h, b):
            for s in range(4):
                pltpu.async_copy(
                    tb_b[b].at[pl.ds(8 * s, 8), pl.ds(0, 128)],
                    out_hbm.at[h, s, w], osem[b])

        def out_wait(b):
            for s in range(4):
                pltpu.make_async_copy(
                    tb_b[b].at[pl.ds(8 * s, 8), pl.ds(0, 128)],
                    out_hbm.at[0, s, w], osem[b]).wait()

        def transpose(b):
            rows = rows_b[b]
            tb = tb_b[b]

            def body(j, carry):
                jv = jnp.full((16,), j, jnp.int32)
                for k in range(2):
                    v = rows[j, pl.ds(16 * k, 16)]
                    plsc.store_scatter(tb, [lanes + 16 * k, jv], v)
                return carry

            lax.fori_loop(0, 128, body, 0, unroll=16)

        pltpu.sync_copy(idx_hbm.at[:, w], idx_v)

        gather_start(0, 0)

        def pair(u, carry):
            h0 = 2 * u
            gather_start(h0 + 1, 1)
            gather_wait(0)

            @pl.when(u > 0)
            def _():
                out_wait(0)
            transpose(0)
            out_start(h0, 0)
            gather_start(jnp.minimum(h0 + 2, _H - 1), 0)
            gather_wait(1)

            @pl.when(u > 0)
            def _():
                out_wait(1)
            transpose(1)
            out_start(h0 + 1, 1)
            return carry

        lax.fori_loop(0, _H // 2, pair, 0)

        out_wait(0)
        out_wait(1)
        gather_wait(0)

    return k(idx_view, weight)


def kernel(indices, weight):
    idx_view = jnp.transpose(
        jnp.reshape(jnp.transpose(indices), (_H // 8, 8, _BB, 128)),
        (0, 2, 1, 3)).astype(jnp.int32)
    out5 = _sc_embed(idx_view, weight)
    return jnp.reshape(jnp.transpose(out5, (2, 4, 0, 1, 3)), (_B, _H, _D))

# --- scband reference (transcript-rebuilt; emitter-appended) ---
"""Pipeline reference for scband-embedding-25125558682320 (READ-ONLY COPY).

The authoritative reference and input builder live on the scoring server;
editing this copy changes nothing except your own understanding.
"""

import jax, jax.numpy as jnp
import numpy as np

VOCAB = 1000000
EMBED = 32
BATCH = 4096
HIST = 200

def setup_inputs(seed: int = 0) -> dict:
    key = jax.random.key(seed)
    k_idx, k_w = jax.random.split(key)
    indices = jax.random.randint(k_idx, (BATCH, HIST), 0, VOCAB, dtype=jnp.int64 if jax.config.jax_enable_x64 else jnp.int32)
    weight = jax.random.normal(k_w, (VOCAB, EMBED), dtype=jnp.float32)
    return {"indices": indices, "weight": weight}

def reference(indices, weight):
    # Embedding lookup: z = weight[indices]
    z = jnp.take(weight, indices, axis=0)
    return z

if __name__ == "__main__":
    import jax
    _d = setup_inputs()
    print(jax.jit(kernel)(*tuple(_d.values())))

</pallas_src>

<mosaic_0001>
#map = affine_map<(d0, d1) -> (0, 0, 0, 0)>
#map1 = affine_map<(d0, d1) -> (0, 0)>
#map2 = affine_map<(d0, d1) -> (0, 0, 0, 0, 0)>
module attributes {stable_mosaic.version = 14 : i64} {
  func.func @k(%arg0: i32, %arg1: i32, %arg2: memref<25x32x8x128xi32, #tpu.memory_space<hbm>>, %arg3: memref<1000000x32xf32, #tpu.memory_space<hbm>>, %arg4: memref<200x4x32x8x128xf32, #tpu.memory_space<hbm>>, %arg5: memref<25x8x128xi32, #tpu.memory_space<vmem>>, %arg6: memref<128x32xf32, #tpu.memory_space<vmem>>, %arg7: memref<128x32xf32, #tpu.memory_space<vmem>>, %arg8: memref<32x129xf32, #tpu.memory_space<vmem>>, %arg9: memref<32x129xf32, #tpu.memory_space<vmem>>, %arg10: memref<!tpu.dma_semaphore, #tpu.memory_space<semaphore_mem>>, %arg11: memref<!tpu.dma_semaphore, #tpu.memory_space<semaphore_mem>>, %arg12: memref<!tpu.dma_semaphore, #tpu.memory_space<semaphore_mem>>, %arg13: memref<!tpu.dma_semaphore, #tpu.memory_space<semaphore_mem>>) attributes {dimension_semantics = [#tpu.dimension_semantics<core_parallel>, #tpu.dimension_semantics<subcore_parallel>], iteration_bounds = array<i64: 2, 16>, scalar_prefetch = 0 : i64, scratch_operands = 9 : i64, tpu.core_type = #tpu.core_type<sc_vector_subcore>, window_params = [{transform_indices = #map}, {transform_indices = #map1}, {transform_indices = #map2}]} {
    %mul3A = arith.constant 2 : i32
    %mul3A_0 = arith.muli %arg1, %mul3A : i32
    %add3A = arith.addi %mul3A_0, %arg0 : i32
    %iota3A = tpu.iota {dimensions = array<i32: 0>} : vector<16xi32>
    "tpu.region"() ({
      %run_scoped3A = tpu.sem_alloc : memref<!tpu.dma_semaphore, #tpu.memory_space<semaphore_mem>>
      %dma_start3A_146 = arith.constant 0 : i32
      %dma_start3A_147 = arith.constant 0 : i32
      %dma_start3A_148 = arith.constant 0 : i32
      %dma_start3A_149 = tpu.memref_slice %arg2[%dma_start3A_146, %add3A, %dma_start3A_147, %dma_start3A_148] : memref<25x32x8x128xi32, #tpu.memory_space<hbm>> -> memref<25x1x8x128xi32, #tpu.memory_space<hbm>>
      %dma_start3A_150 = tpu.memref_squeeze %dma_start3A_149 : memref<25x1x8x128xi32, #tpu.memory_space<hbm>> -> memref<25x8x128xi32, #tpu.memory_space<hbm>>
      %dma_start3A_151 = arith.constant 0 : i32
      %dma_start3A_152 = arith.constant 0 : i32
      %dma_start3A_153 = arith.constant 0 : i32
      %dma_start3A_154 = tpu.memref_slice %arg2[%dma_start3A_151, %add3A, %dma_start3A_152, %dma_start3A_153] : memref<25x32x8x128xi32, #tpu.memory_space<hbm>> -> memref<25x1x8x128xi32, #tpu.memory_space<hbm>>
      %dma_start3A_155 = tpu.memref_squeeze %dma_start3A_154 : memref<25x1x8x128xi32, #tpu.memory_space<hbm>> -> memref<25x8x128xi32, #tpu.memory_space<hbm>>
      tpu.enqueue_dma source(%dma_start3A_155 : memref<25x8x128xi32, #tpu.memory_space<hbm>>) target(%arg5 : memref<25x8x128xi32, #tpu.memory_space<vmem>>) target_semaphore(%run_scoped3A : memref<!tpu.dma_semaphore, #tpu.memory_space<semaphore_mem>>)
      %dma_wait3A_156 = arith.constant 0 : i32
      %dma_wait3A_157 = arith.constant 0 : i32
      %dma_wait3A_158 = arith.constant 0 : i32
      %dma_wait3A_159 = tpu.memref_slice %arg2[%dma_wait3A_156, %add3A, %dma_wait3A_157, %dma_wait3A_158] : memref<25x32x8x128xi32, #tpu.memory_space<hbm>> -> memref<25x1x8x128xi32, #tpu.memory_space<hbm>>
      %dma_wait3A_160 = tpu.memref_squeeze %dma_wait3A_159 : memref<25x1x8x128xi32, #tpu.memory_space<hbm>> -> memref<25x8x128xi32, #tpu.memory_space<hbm>>
      %dma_wait3A_161 = arith.constant 0 : i32
      %dma_wait3A_162 = arith.constant 0 : i32
      %dma_wait3A_163 = arith.constant 0 : i32
      %dma_wait3A_164 = tpu.memref_slice %arg2[%dma_wait3A_161, %add3A, %dma_wait3A_162, %dma_wait3A_163] : memref<25x32x8x128xi32, #tpu.memory_space<hbm>> -> memref<25x1x8x128xi32, #tpu.memory_space<hbm>>
      %dma_wait3A_165 = tpu.memref_squeeze %dma_wait3A_164 : memref<25x1x8x128xi32, #tpu.memory_space<hbm>> -> memref<25x8x128xi32, #tpu.memory_space<hbm>>
      tpu.wait_dma2 semaphore(%run_scoped3A : memref<!tpu.dma_semaphore, #tpu.memory_space<semaphore_mem>>) src(%dma_wait3A_165 : memref<25x8x128xi32, #tpu.memory_space<hbm>>) dst(%arg5 : memref<25x8x128xi32, #tpu.memory_space<vmem>>)
      tpu.yield
    }) : () -> ()
    %dma_start3A = arith.constant 0 : i32
    %dma_start3A_1 = arith.constant 0 : i32
    %dma_start3A_2 = arith.constant 0 : i32
    %dma_start3A_3 = tpu.memref_slice %arg5[%dma_start3A, %dma_start3A_1, %dma_start3A_2] : memref<25x8x128xi32, #tpu.memory_space<vmem>> -> memref<1x1x128xi32, #tpu.memory_space<vmem>>
    %dma_start3A_4 = tpu.memref_squeeze %dma_start3A_3 : memref<1x1x128xi32, #tpu.memory_space<vmem>> -> memref<128xi32, #tpu.memory_space<vmem>>
    %dma_start3A_5 = arith.constant 0 : i32
    %dma_start3A_6 = arith.constant 0 : i32
    %dma_start3A_7 = tpu.memref_slice %arg3[%dma_start3A_5, %dma_start3A_6] : memref<1000000x32xf32, #tpu.memory_space<hbm>> -> memref<1000000x32xf32, #tpu.memory_space<hbm>>
    tpu.enqueue_indirect_dma source(%dma_start3A_7 : memref<1000000x32xf32, #tpu.memory_space<hbm>>) target(%arg6 : memref<128x32xf32, #tpu.memory_space<vmem>>) offsets(%dma_start3A_4 : memref<128xi32, #tpu.memory_space<vmem>>) semaphore(%arg10 : memref<!tpu.dma_semaphore, #tpu.memory_space<semaphore_mem>>)
    %scan3A = arith.constant 0 : i32
    %scan3A_8 = arith.constant 0 : i32
    %scan3A_9 = arith.constant 100 : i32
    %scan3A_10 = arith.addi %scan3A_8, %scan3A_9 : i32
    %scan3A_11 = arith.constant 1 : i32
    scf.for %scan3A_146 = %scan3A_8 to %scan3A_10 step %scan3A_11  : i32 {
      %mul3A_147 = arith.constant 2 : i32
      %mul3A_148 = arith.muli %mul3A_147, %scan3A_146 : i32
      %add3A_149 = arith.constant 1 : i32
      %add3A_150 = arith.addi %mul3A_148, %add3A_149 : i32
      %jit3A = arith.constant 8 : i32
      %div3A = arith.divsi %add3A_150, %jit3A : i32
      %sign3A = arith.constant 0 : i32
      %sign3A_151 = arith.cmpi sgt, %add3A_150, %sign3A : i32
      %sign3A_152 = arith.extui %sign3A_151 : i1 to i32
      %sign3A_153 = arith.constant 0 : i32
      %sign3A_154 = arith.cmpi slt, %add3A_150, %sign3A_153 : i32
      %sign3A_155 = arith.extui %sign3A_154 : i1 to i32
      %sign3A_156 = arith.subi %sign3A_152, %sign3A_155 : i32
      %sign3A_157 = arith.constant 0 : i32
      %sign3A_158 = arith.cmpi sgt, %jit3A, %sign3A_157 : i32
      %sign3A_159 = arith.extui %sign3A_158 : i1 to i32
      %sign3A_160 = arith.constant 0 : i32
      %sign3A_161 = arith.cmpi slt, %jit3A, %sign3A_160 : i32
      %sign3A_162 = arith.extui %sign3A_161 : i1 to i32
      %sign3A_163 = arith.subi %sign3A_159, %sign3A_162 : i32
      %ne3A = arith.cmpi ne, %sign3A_156, %sign3A_163 : i32
      %rem3A = arith.remsi %add3A_150, %jit3A : i32
      %ne3A_164 = arith.constant 0 : i32
      %ne3A_165 = arith.cmpi ne, %rem3A, %ne3A_164 : i32
      %and3A = arith.andi %ne3A, %ne3A_165 : i1
      %sub3A = arith.constant 1 : i32
      %sub3A_166 = arith.subi %div3A, %sub3A : i32
      %select_n3A = arith.select %and3A, %sub3A_166, %div3A : i32
      %jit3A_167 = arith.constant 8 : i32
      %eq3A = arith.constant 0 : i32
      %eq3A_168 = arith.cmpi eq, %jit3A_167, %eq3A : i32
      %jit3A_169 = arith.constant 1 : i32
      %select_n3A_170 = arith.select %eq3A_168, %jit3A_169, %jit3A_167 : i32
      %rem3A_171 = arith.remsi %add3A_150, %select_n3A_170 : i32
      %ne3A_172 = arith.constant 0 : i32
      %ne3A_173 = arith.cmpi ne, %rem3A_171, %ne3A_172 : i32
      %lt3A = arith.constant 0 : i32
      %lt3A_174 = arith.cmpi slt, %rem3A_171, %lt3A : i32
      %lt3A_175 = arith.constant 0 : i32
      %lt3A_176 = arith.cmpi slt, %select_n3A_170, %lt3A_175 : i32
      %ne3A_177 = arith.xori %lt3A_174, %lt3A_176 : i1
      %and3A_178 = arith.andi %ne3A_177, %ne3A_173 : i1
      %add3A_179 = arith.addi %rem3A_171, %select_n3A_170 : i32
      %select_n3A_180 = arith.select %and3A_178, %add3A_179, %rem3A_171 : i32
      %dma_start3A_181 = arith.constant 0 : i32
      %dma_start3A_182 = tpu.memref_slice %arg5[%select_n3A, %select_n3A_180, %dma_start3A_181] : memref<25x8x128xi32, #tpu.memory_space<vmem>> -> memref<1x1x128xi32, #tpu.memory_space<vmem>>
      %dma_start3A_183 = tpu.memref_squeeze %dma_start3A_182 : memref<1x1x128xi32, #tpu.memory_space<vmem>> -> memref<128xi32, #tpu.memory_space<vmem>>
      %dma_start3A_184 = arith.constant 0 : i32
      %dma_start3A_185 = arith.constant 0 : i32
      %dma_start3A_186 = tpu.memref_slice %arg3[%dma_start3A_184, %dma_start3A_185] : memref<1000000x32xf32, #tpu.memory_space<hbm>> -> memref<1000000x32xf32, #tpu.memory_space<hbm>>
      tpu.enqueue_indirect_dma source(%dma_start3A_186 : memref<1000000x32xf32, #tpu.memory_space<hbm>>) target(%arg7 : memref<128x32xf32, #tpu.memory_space<vmem>>) offsets(%dma_start3A_183 : memref<128xi32, #tpu.memory_space<vmem>>) semaphore(%arg11 : memref<!tpu.dma_semaphore, #tpu.memory_space<semaphore_mem>>)
      %dma_wait3A_187 = arith.constant 0 : i32
      %dma_wait3A_188 = arith.constant 0 : i32
      %dma_wait3A_189 = tpu.memref_slice %arg3[%dma_wait3A_187, %dma_wait3A_188] : memref<1000000x32xf32, #tpu.memory_space<hbm>> -> memref<128x32xf32, #tpu.memory_space<hbm>>
      %dma_wait3A_190 = arith.constant 0 : i32
      %dma_wait3A_191 = arith.constant 0 : i32
      %dma_wait3A_192 = tpu.memref_slice %arg3[%dma_wait3A_190, %dma_wait3A_191] : memref<1000000x32xf32, #tpu.memory_space<hbm>> -> memref<128x32xf32, #tpu.memory_space<hbm>>
      tpu.wait_dma2 semaphore(%arg10 : memref<!tpu.dma_semaphore, #tpu.memory_space<semaphore_mem>>) src(%dma_wait3A_192 : memref<128x32xf32, #tpu.memory_space<hbm>>) dst(%arg6 : memref<128x32xf32, #tpu.memory_space<vmem>>)
      %gt3A = arith.constant 0 : i32
      %gt3A_193 = arith.cmpi sgt, %scan3A_146, %gt3A : i32
      %convert_element_type3A = arith.extui %gt3A_193 : i1 to i32
      %cond3A = arith.constant 0 : i32
      %cond3A_194 = arith.cmpi ne, %convert_element_type3A, %cond3A : i32
      scf.if %cond3A_194 {
        %dma_wait3A_389 = arith.constant 0 : i32
        %dma_wait3A_390 = arith.constant 0 : i32
        %dma_wait3A_391 = arith.constant 0 : i32
        %dma_wait3A_392 = arith.constant 0 : i32
        %dma_wait3A_393 = tpu.memref_slice %arg8[%dma_wait3A_391, %dma_wait3A_392] : memref<32x129xf32, #tpu.memory_space<vmem>> -> memref<8x128xf32, #tpu.memory_space<vmem>>
        %dma_wait3A_394 = arith.constant 0 : i32
        %dma_wait3A_395 = arith.constant 0 : i32
        %dma_wait3A_396 = tpu.memref_slice %arg4[%dma_wait3A_389, %dma_wait3A_390, %add3A, %dma_wait3A_394, %dma_wait3A_395] : memref<200x4x32x8x128xf32, #tpu.memory_space<hbm>> -> memref<1x1x1x8x128xf32, #tpu.memory_space<hbm>>
        %dma_wait3A_397 = tpu.memref_squeeze %dma_wait3A_396 : memref<1x1x1x8x128xf32, #tpu.memory_space<hbm>> -> memref<8x128xf32, #tpu.memory_space<hbm>>
        %dma_wait3A_398 = arith.constant 0 : i32
        %dma_wait3A_399 = arith.constant 0 : i32
        %dma_wait3A_400 = tpu.memref_slice %arg4[%dma_wait3A_389, %dma_wait3A_390, %add3A, %dma_wait3A_398, %dma_wait3A_399] : memref<200x4x32x8x128xf32, #tpu.memory_space<hbm>> -> memref<1x1x1x8x128xf32, #tpu.memory_space<hbm>>
        %dma_wait3A_401 = tpu.memref_squeeze %dma_wait3A_400 : memref<1x1x1x8x128xf32, #tpu.memory_space<hbm>> -> memref<8x128xf32, #tpu.memory_space<hbm>>
        %dma_wait3A_402 = arith.constant 0 : i32
        %dma_wait3A_403 = arith.constant 0 : i32
        %dma_wait3A_404 = tpu.memref_slice %arg8[%dma_wait3A_402, %dma_wait3A_403] : memref<32x129xf32, #tpu.memory_space<vmem>> -> memref<8x128xf32, #tpu.memory_space<vmem>>
        tpu.wait_dma2 semaphore(%arg12 : memref<!tpu.dma_semaphore, #tpu.memory_space<semaphore_mem>>) src(%dma_wait3A_404 : memref<8x128xf32, #tpu.memory_space<vmem>>) dst(%dma_wait3A_401 : memref<8x128xf32, #tpu.memory_space<hbm>>)
        %dma_wait3A_405 = arith.constant 0 : i32
        %dma_wait3A_406 = arith.constant 1 : i32
        %dma_wait3A_407 = arith.constant 8 : i32
        %dma_wait3A_408 = arith.constant 0 : i32
        %dma_wait3A_409 = tpu.memref_slice %arg8[%dma_wait3A_407, %dma_wait3A_408] : memref<32x129xf32, #tpu.memory_space<vmem>> -> memref<8x128xf32, #tpu.memory_space<vmem>>
        %dma_wait3A_410 = arith.constant 0 : i32
        %dma_wait3A_411 = arith.constant 0 : i32
        %dma_wait3A_412 = tpu.memref_slice %arg4[%dma_wait3A_405, %dma_wait3A_406, %add3A, %dma_wait3A_410, %dma_wait3A_411] : memref<200x4x32x8x128xf32, #tpu.memory_space<hbm>> -> memref<1x1x1x8x128xf32, #tpu.memory_space<hbm>>
        %dma_wait3A_413 = tpu.memref_squeeze %dma_wait3A_412 : memref<1x1x1x8x128xf32, #tpu.memory_space<hbm>> -> memref<8x128xf32, #tpu.memory_space<hbm>>
        %dma_wait3A_414 = arith.constant 0 : i32
        %dma_wait3A_415 = arith.constant 0 : i32
        %dma_wait3A_416 = tpu.memref_slice %arg4[%dma_wait3A_405, %dma_wait3A_406, %add3A, %dma_wait3A_414, %dma_wait3A_415] : memref<200x4x32x8x128xf32, #tpu.memory_space<hbm>> -> memref<1x1x1x8x128xf32, #tpu.memory_space<hbm>>
        %dma_wait3A_417 = tpu.memref_squeeze %dma_wait3A_416 : memref<1x1x1x8x128xf32, #tpu.memory_space<hbm>> -> memref<8x128xf32, #tpu.memory_space<hbm>>
        %dma_wait3A_418 = arith.constant 8 : i32
        %dma_wait3A_419 = arith.constant 0 : i32
        %dma_wait3A_420 = tpu.memref_slice %arg8[%dma_wait3A_418, %dma_wait3A_419] : memref<32x129xf32, #tpu.memory_space<vmem>> -> memref<8x128xf32, #tpu.memory_space<vmem>>
        tpu.wait_dma2 semaphore(%arg12 : memref<!tpu.dma_semaphore, #tpu.memory_space<semaphore_mem>>) src(%dma_wait3A_420 : memref<8x128xf32, #tpu.memory_space<vmem>>) dst(%dma_wait3A_417 : memref<8x128xf32, #tpu.memory_space<hbm>>)
        %dma_wait3A_421 = arith.constant 0 : i32
        %dma_wait3A_422 = arith.constant 2 : i32
        %dma_wait3A_423 = arith.constant 16 : i32
        %dma_wait3A_424 = arith.constant 0 : i32
        %dma_wait3A_425 = tpu.memref_slice %arg8[%dma_wait3A_423, %dma_wait3A_424] : memref<32x129xf32, #tpu.memory_space<vmem>> -> memref<8x128xf32, #tpu.memory_space<vmem>>
        %dma_wait3A_426 = arith.constant 0 : i32
        %dma_wait3A_427 = arith.constant 0 : i32
        %dma_wait3A_428 = tpu.memref_slice %arg4[%dma_wait3A_421, %dma_wait3A_422, %add3A, %dma_wait3A_426, %dma_wait3A_427] : memref<200x4x32x8x128xf32, #tpu.memory_space<hbm>> -> memref<1x1x1x8x128xf32, #tpu.memory_space<hbm>>
        %dma_wait3A_429 = tpu.memref_squeeze %dma_wait3A_428 : memref<1x1x1x8x128xf32, #tpu.memory_space<hbm>> -> memref<8x128xf32, #tpu.memory_space<hbm>>
        %dma_wait3A_430 = arith.constant 0 : i32
        %dma_wait3A_431 = arith.constant 0 : i32
        %dma_wait3A_432 = tpu.memref_slice %arg4[%dma_wait3A_421, %dma_wait3A_422, %add3A, %dma_wait3A_430, %dma_wait3A_431] : memref<200x4x32x8x128xf32, #tpu.memory_space<hbm>> -> memref<1x1x1x8x128xf32, #tpu.memory_space<hbm>>
        %dma_wait3A_433 = tpu.memref_squeeze %dma_wait3A_432 : memref<1x1x1x8x128xf32, #tpu.memory_space<hbm>> -> memref<8x128xf32, #tpu.memory_space<hbm>>
        %dma_wait3A_434 = arith.constant 16 : i32
        %dma_wait3A_435 = arith.constant 0 : i32
        %dma_wait3A_436 = tpu.memref_slice %arg8[%dma_wait3A_434, %dma_wait3A_435] : memref<32x129xf32, #tpu.memory_space<vmem>> -> memref<8x128xf32, #tpu.memory_space<vmem>>
        tpu.wait_dma2 semaphore(%arg12 : memref<!tpu.dma_semaphore, #tpu.memory_space<semaphore_mem>>) src(%dma_wait3A_436 : memref<8x128xf32, #tpu.memory_space<vmem>>) dst(%dma_wait3A_433 : memref<8x128xf32, #tpu.memory_space<hbm>>)
        %dma_wait3A_437 = arith.constant 0 : i32
        %dma_wait3A_438 = arith.constant 3 : i32
        %dma_wait3A_439 = arith.constant 24 : i32
        %dma_wait3A_440 = arith.constant 0 : i32
        %dma_wait3A_441 = tpu.memref_slice %arg8[%dma_wait3A_439, %dma_wait3A_440] : memref<32x129xf32, #tpu.memory_space<vmem>> -> memref<8x128xf32, #tpu.memory_space<vmem>>
        %dma_wait3A_442 = arith.constant 0 : i32
        %dma_wait3A_443 = arith.constant 0 : i32
        %dma_wait3A_444 = tpu.memref_slice %arg4[%dma_wait3A_437, %dma_wait3A_438, %add3A, %dma_wait3A_442, %dma_wait3A_443] : memref<200x4x32x8x128xf32, #tpu.memory_space<hbm>> -> memref<1x1x1x8x128xf32, #tpu.memory_space<hbm>>
        %dma_wait3A_445 = tpu.memref_squeeze %dma_wait3A_444 : memref<1x1x1x8x128xf32, #tpu.memory_space<hbm>> -> memref<8x128xf32, #tpu.memory_space<hbm>>
        %dma_wait3A_446 = arith.constant 0 : i32
        %dma_wait3A_447 = arith.constant 0 : i32
        %dma_wait3A_448 = tpu.memref_slice %arg4[%dma_wait3A_437, %dma_wait3A_438, %add3A, %dma_wait3A_446, %dma_wait3A_447] : memref<200x4x32x8x128xf32, #tpu.memory_space<hbm>> -> memref<1x1x1x8x128xf32, #tpu.memory_space<hbm>>
        %dma_wait3A_449 = tpu.memref_squeeze %dma_wait3A_448 : memref<1x1x1x8x128xf32, #tpu.memory_space<hbm>> -> memref<8x128xf32, #tpu.memory_space<hbm>>
        %dma_wait3A_450 = arith.constant 24 : i32
        %dma_wait3A_451 = arith.constant 0 : i32
        %dma_wait3A_452 = tpu.memref_slice %arg8[%dma_wait3A_450, %dma_wait3A_451] : memref<32x129xf32, #tpu.memory_space<vmem>> -> memref<8x128xf32, #tpu.memory_space<vmem>>
        tpu.wait_dma2 semaphore(%arg12 : memref<!tpu.dma_semaphore, #tpu.memory_space<semaphore_mem>>) src(%dma_wait3A_452 : memref<8x128xf32, #tpu.memory_space<vmem>>) dst(%dma_wait3A_449 : memref<8x128xf32, #tpu.memory_space<hbm>>)
      } else {
      }
      %scan3A_195 = arith.constant 0 : i32
      %scan3A_196 = arith.constant 0 : i32
      %scan3A_197 = arith.constant 128 : i32
      %scan3A_198 = arith.addi %scan3A_196, %scan3A_197 : i32
      %scan3A_199 = arith.constant 16 : i32
      scf.for %scan3A_389 = %scan3A_196 to %scan3A_198 step %scan3A_199  : i32 {
        %broadcast_in_dim3A = vector.broadcast %scan3A_389 : i32 to vector<16xi32>
        %get3A = arith.index_cast %scan3A_389 : i32 to index
        %get3A_390 = arith.constant 0 : index
        %get3A_391 = tpu.vector_load %arg6[%get3A, %get3A_390] {strides = array<i32>} : memref<128x32xf32, #tpu.memory_space<vmem>>, vector<16xf32>,
        %add3A_392 = arith.constant 0 : i32
        %add3A_393 = vector.broadcast %add3A_392 : i32 to vector<16xi32>
        %add3A_394 = arith.addi %iota3A, %add3A_393 : vector<16xi32>
        tpu.vector_store_idx %arg8[%add3A_394, %broadcast_in_dim3A], %get3A_391 : memref<32x129xf32, #tpu.memory_space<vmem>>[vector<16xi32>, vector<16xi32>], vector<16xf32>,
        %get3A_395 = arith.index_cast %scan3A_389 : i32 to index
        %get3A_396 = arith.constant 16 : index
        %get3A_397 = tpu.vector_load %arg6[%get3A_395, %get3A_396] {strides = array<i32>} : memref<128x32xf32, #tpu.memory_space<vmem>>, vector<16xf32>,
        %add3A_398 = arith.constant 16 : i32
        %add3A_399 = vector.broadcast %add3A_398 : i32 to vector<16xi32>
        %add3A_400 = arith.addi %iota3A, %add3A_399 : vector<16xi32>
        tpu.vector_store_idx %arg8[%add3A_400, %broadcast_in_dim3A], %get3A_397 : memref<32x129xf32, #tpu.memory_space<vmem>>[vector<16xi32>, vector<16xi32>], vector<16xf32>,
        %scan3A_401 = arith.constant 1 : i32
        %scan3A_402 = arith.addi %scan3A_389, %scan3A_401 : i32
        %broadcast_in_dim3A_403 = vector.broadcast %scan3A_402 : i32 to vector<16xi32>
        %get3A_404 = arith.index_cast %scan3A_402 : i32 to index
        %get3A_405 = arith.constant 0 : index
        %get3A_406 = tpu.vector_load %arg6[%get3A_404, %get3A_405] {strides = array<i32>} : memref<128x32xf32, #tpu.memory_space<vmem>>, vector<16xf32>,
        %add3A_407 = arith.constant 0 : i32
        %add3A_408 = vector.broadcast %add3A_407 : i32 to vector<16xi32>
        %add3A_409 = arith.addi %iota3A, %add3A_408 : vector<16xi32>
        tpu.vector_store_idx %arg8[%add3A_409, %broadcast_in_dim3A_403], %get3A_406 : memref<32x129xf32, #tpu.memory_space<vmem>>[vector<16xi32>, vector<16xi32>], vector<16xf32>,
        %get3A_410 = arith.index_cast %scan3A_402 : i32 to index
        %get3A_411 = arith.constant 16 : index
        %get3A_412 = tpu.vector_load %arg6[%get3A_410, %get3A_411] {strides = array<i32>} : memref<128x32xf32, #tpu.memory_space<vmem>>, vector<16xf32>,
        %add3A_413 = arith.constant 16 : i32
        %add3A_414 = vector.broadcast %add3A_413 : i32 to vector<16xi32>
        %add3A_415 = arith.addi %iota3A, %add3A_414 : vector<16xi32>
        tpu.vector_store_idx %arg8[%add3A_415, %broadcast_in_dim3A_403], %get3A_412 : memref<32x129xf32, #tpu.memory_space<vmem>>[vector<16xi32>, vector<16xi32>], vector<16xf32>,
        %scan3A_416 = arith.constant 2 : i32
        %scan3A_417 = arith.addi %scan3A_389, %scan3A_416 : i32
        %broadcast_in_dim3A_418 = vector.broadcast %scan3A_417 : i32 to vector<16xi32>
        %get3A_419 = arith.index_cast %scan3A_417 : i32 to index
        %get3A_420 = arith.constant 0 : index
        %get3A_421 = tpu.vector_load %arg6[%get3A_419, %get3A_420] {strides = array<i32>} : memref<128x32xf32, #tpu.memory_space<vmem>>, vector<16xf32>,
        %add3A_422 = arith.constant 0 : i32
        %add3A_423 = vector.broadcast %add3A_422 : i32 to vector<16xi32>
        %add3A_424 = arith.addi %iota3A, %add3A_423 : vector<16xi32>
        tpu.vector_store_idx %arg8[%add3A_424, %broadcast_in_dim3A_418], %get3A_421 : memref<32x129xf32, #tpu.memory_space<vmem>>[vector<16xi32>, vector<16xi32>], vector<16xf32>,
        %get3A_425 = arith.index_cast %scan3A_417 : i32 to index
        %get3A_426 = arith.constant 16 : index
        %get3A_427 = tpu.vector_load %arg6[%get3A_425, %get3A_426] {strides = array<i32>} : memref<128x32xf32, #tpu.memory_space<vmem>>, vector<16xf32>,
        %add3A_428 = arith.constant 16 : i32
        %add3A_429 = vector.broadcast %add3A_428 : i32 to vector<16xi32>
        %add3A_430 = arith.addi %iota3A, %add3A_429 : vector<16xi32>
        tpu.vector_store_idx %arg8[%add3A_430, %broadcast_in_dim3A_418], %get3A_427 : memref<32x129xf32, #tpu.memory_space<vmem>>[vector<16xi32>, vector<16xi32>], vector<16xf32>,
        %scan3A_431 = arith.constant 3 : i32
        %scan3A_432 = arith.addi %scan3A_389, %scan3A_431 : i32
        %broadcast_in_dim3A_433 = vector.broadcast %scan3A_432 : i32 to vector<16xi32>
        %get3A_434 = arith.index_cast %scan3A_432 : i32 to index
        %get3A_435 = arith.constant 0 : index
        %get3A_436 = tpu.vector_load %arg6[%get3A_434, %get3A_435] {strides = array<i32>} : memref<128x32xf32, #tpu.memory_space<vmem>>, vector<16xf32>,
        %add3A_437 = arith.constant 0 : i32
        %add3A_438 = vector.broadcast %add3A_437 : i32 to vector<16xi32>
        %add3A_439 = arith.addi %iota3A, %add3A_438 : vector<16xi32>
        tpu.vector_store_idx %arg8[%add3A_439, %broadcast_in_dim3A_433], %get3A_436 : memref<32x129xf32, #tpu.memory_space<vmem>>[vector<16xi32>, vector<16xi32>], vector<16xf32>,
        %get3A_440 = arith.index_cast %scan3A_432 : i32 to index
        %get3A_441 = arith.constant 16 : index
        %get3A_442 = tpu.vector_load %arg6[%get3A_440, %get3A_441] {strides = array<i32>} : memref<128x32xf32, #tpu.memory_space<vmem>>, vector<16xf32>,
        %add3A_443 = arith.constant 16 : i32
        %add3A_444 = vector.broadcast %add3A_443 : i32 to vector<16xi32>
        %add3A_445 = arith.addi %iota3A, %add3A_444 : vector<16xi32>
        tpu.vector_store_idx %arg8[%add3A_445, %broadcast_in_dim3A_433], %get3A_442 : memref<32x129xf32, #tpu.memory_space<vmem>>[vector<16xi32>, vector<16xi32>], vector<16xf32>,
        %scan3A_446 = arith.constant 4 : i32
        %scan3A_447 = arith.addi %scan3A_389, %scan3A_446 : i32
        %broadcast_in_dim3A_448 = vector.broadcast %scan3A_447 : i32 to vector<16xi32>
        %get3A_449 = arith.index_cast %scan3A_447 : i32 to index
        %get3A_450 = arith.constant 0 : index
        %get3A_451 = tpu.vector_load %arg6[%get3A_449, %get3A_450] {strides = array<i32>} : memref<128x32xf32, #tpu.memory_space<vmem>>, vector<16xf32>,
        %add3A_452 = arith.constant 0 : i32
        %add3A_453 = vector.broadcast %add3A_452 : i32 to vector<16xi32>
        %add3A_454 = arith.addi %iota3A, %add3A_453 : vector<16xi32>
        tpu.vector_store_idx %arg8[%add3A_454, %broadcast_in_dim3A_448], %get3A_451 : memref<32x129xf32, #tpu.memory_space<vmem>>[vector<16xi32>, vector<16xi32>], vector<16xf32>,
        %get3A_455 = arith.index_cast %scan3A_447 : i32 to index
        %get3A_456 = arith.constant 16 : index
        %get3A_457 = tpu.vector_load %arg6[%get3A_455, %get3A_456] {strides = array<i32>} : memref<128x32xf32, #tpu.memory_space<vmem>>, vector<16xf32>,
        %add3A_458 = arith.constant 16 : i32
        %add3A_459 = vector.broadcast %add3A_458 : i32 to vector<16xi32>
        %add3A_460 = arith.addi %iota3A, %add3A_459 : vector<16xi32>
        tpu.vector_store_idx %arg8[%add3A_460, %broadcast_in_dim3A_448], %get3A_457 : memref<32x129xf32, #tpu.memory_space<vmem>>[vector<16xi32>, vector<16xi32>], vector<16xf32>,
        %scan3A_461 = arith.constant 5 : i32
        %scan3A_462 = arith.addi %scan3A_389, %scan3A_461 : i32
        %broadcast_in_dim3A_463 = vector.broadcast %scan3A_462 : i32 to vector<16xi32>
        %get3A_464 = arith.index_cast %scan3A_462 : i32 to index
        %get3A_465 = arith.constant 0 : index
        %get3A_466 = tpu.vector_load %arg6[%get3A_464, %get3A_465] {strides = array<i32>} : memref<128x32xf32, #tpu.memory_space<vmem>>, vector<16xf32>,
        %add3A_467 = arith.constant 0 : i32
        %add3A_468 = vector.broadcast %add3A_467 : i32 to vector<16xi32>
        %add3A_469 = arith.addi %iota3A, %add3A_468 : vector<16xi32>
        tpu.vector_store_idx %arg8[%add3A_469, %broadcast_in_dim3A_463], %get3A_466 : memref<32x129xf32, #tpu.memory_space<vmem>>[vector<16xi32>, vector<16xi32>], vector<16xf32>,
        %get3A_470 = arith.index_cast %scan3A_462 : i32 to index
        %get3A_471 = arith.constant 16 : index
        %get3A_472 = tpu.vector_load %arg6[%get3A_470, %get3A_471] {strides = array<i32>} : memref<128x32xf32, #tpu.memory_space<vmem>>, vector<16xf32>,
        %add3A_473 = arith.constant 16 : i32
        %add3A_474 = vector.broadcast %add3A_473 : i32 to vector<16xi32>
        %add3A_475 = arith.addi %iota3A, %add3A_474 : vector<16xi32>
        tpu.vector_store_idx %arg8[%add3A_475, %broadcast_in_dim3A_463], %get3A_472 : memref<32x129xf32, #tpu.memory_space<vmem>>[vector<16xi32>, vector<16xi32>], vector<16xf32>,
        %scan3A_476 = arith.constant 6 : i32
        %scan3A_477 = arith.addi %scan3A_389, %scan3A_476 : i32
        %broadcast_in_dim3A_478 = vector.broadcast %scan3A_477 : i32 to vector<16xi32>
        %get3A_479 = arith.index_cast %scan3A_477 : i32 to index
        %get3A_480 = arith.constant 0 : index
        %get3A_481 = tpu.vector_load %arg6[%get3A_479, %get3A_480] {strides = array<i32>} : memref<128x32xf32, #tpu.memory_space<vmem>>, vector<16xf32>,
        %add3A_482 = arith.constant 0 : i32
        %add3A_483 = vector.broadcast %add3A_482 : i32 to vector<16xi32>
        %add3A_484 = arith.addi %iota3A, %add3A_483 : vector<16xi32>
        tpu.vector_store_idx %arg8[%add3A_484, %broadcast_in_dim3A_478], %get3A_481 : memref<32x129xf32, #tpu.memory_space<vmem>>[vector<16xi32>, vector<16xi32>], vector<16xf32>,
        %get3A_485 = arith.index_cast %scan3A_477 : i32 to index
        %get3A_486 = arith.constant 16 : index
        %get3A_487 = tpu.vector_load %arg6[%get3A_485, %get3A_486] {strides = array<i32>} : memref<128x32xf32, #tpu.memory_space<vmem>>, vector<16xf32>,
        %add3A_488 = arith.constant 16 : i32
        %add3A_489 = vector.broadcast %add3A_488 : i32 to vector<16xi32>
        %add3A_490 = arith.addi %iota3A, %add3A_489 : vector<16xi32>
        tpu.vector_store_idx %arg8[%add3A_490, %broadcast_in_dim3A_478], %get3A_487 : memref<32x129xf32, #tpu.memory_space<vmem>>[vector<16xi32>, vector<16xi32>], vector<16xf32>,
        %scan3A_491 = arith.constant 7 : i32
        %scan3A_492 = arith.addi %scan3A_389, %scan3A_491 : i32
        %broadcast_in_dim3A_493 = vector.broadcast %scan3A_492 : i32 to vector<16xi32>
        %get3A_494 = arith.index_cast %scan3A_492 : i32 to index
        %get3A_495 = arith.constant 0 : index
        %get3A_496 = tpu.vector_load %arg6[%get3A_494, %get3A_495] {strides = array<i32>} : memref<128x32xf32, #tpu.memory_space<vmem>>, vector<16xf32>,
        %add3A_497 = arith.constant 0 : i32
        %add3A_498 = vector.broadcast %add3A_497 : i32 to vector<16xi32>
        %add3A_499 = arith.addi %iota3A, %add3A_498 : vector<16xi32>
        tpu.vector_store_idx %arg8[%add3A_499, %broadcast_in_dim3A_493], %get3A_496 : memref<32x129xf32, #tpu.memory_space<vmem>>[vector<16xi32>, vector<16xi32>], vector<16xf32>,
        %get3A_500 = arith.index_cast %scan3A_492 : i32 to index
        %get3A_501 = arith.constant 16 : index
        %get3A_502 = tpu.vector_load %arg6[%get3A_500, %get3A_501] {strides = array<i32>} : memref<128x32xf32, #tpu.memory_space<vmem>>, vector<16xf32>,
        %add3A_503 = arith.constant 16 : i32
        %add3A_504 = vector.broadcast %add3A_503 : i32 to vector<16xi32>
        %add3A_505 = arith.addi %iota3A, %add3A_504 : vector<16xi32>
        tpu.vector_store_idx %arg8[%add3A_505, %broadcast_in_dim3A_493], %get3A_502 : memref<32x129xf32, #tpu.memory_space<vmem>>[vector<16xi32>, vector<16xi32>], vector<16xf32>,
        %scan3A_506 = arith.constant 8 : i32
        %scan3A_507 = arith.addi %scan3A_389, %scan3A_506 : i32
        %broadcast_in_dim3A_508 = vector.broadcast %scan3A_507 : i32 to vector<16xi32>
        %get3A_509 = arith.index_cast %scan3A_507 : i32 to index
        %get3A_510 = arith.constant 0 : index
        %get3A_511 = tpu.vector_load %arg6[%get3A_509, %get3A_510] {strides = array<i32>} : memref<128x32xf32, #tpu.memory_space<vmem>>, vector<16xf32>,
        %add3A_512 = arith.constant 0 : i32
        %add3A_513 = vector.broadcast %add3A_512 : i32 to vector<16xi32>
        %add3A_514 = arith.addi %iota3A, %add3A_513 : vector<16xi32>
        tpu.vector_store_idx %arg8[%add3A_514, %broadcast_in_dim3A_508], %get3A_511 : memref<32x129xf32, #tpu.memory_space<vmem>>[vector<16xi32>, vector<16xi32>], vector<16xf32>,
        %get3A_515 = arith.index_cast %scan3A_507 : i32 to index
        %get3A_516 = arith.constant 16 : index
        %get3A_517 = tpu.vector_load %arg6[%get3A_515, %get3A_516] {strides = array<i32>} : memref<128x32xf32, #tpu.memory_space<vmem>>, vector<16xf32>,
        %add3A_518 = arith.constant 16 : i32
        %add3A_519 = vector.broadcast %add3A_518 : i32 to vector<16xi32>
        %add3A_520 = arith.addi %iota3A, %add3A_519 : vector<16xi32>
        tpu.vector_store_idx %arg8[%add3A_520, %broadcast_in_dim3A_508], %get3A_517 : memref<32x129xf32, #tpu.memory_space<vmem>>[vector<16xi32>, vector<16xi32>], vector<16xf32>,
        %scan3A_521 = arith.constant 9 : i32
        %scan3A_522 = arith.addi %scan3A_389, %scan3A_521 : i32
        %broadcast_in_dim3A_523 = vector.broadcast %scan3A_522 : i32 to vector<16xi32>
        %get3A_524 = arith.index_cast %scan3A_522 : i32 to index
        %get3A_525 = arith.constant 0 : index
        %get3A_526 = tpu.vector_load %arg6[%get3A_524, %get3A_525] {strides = array<i32>} : memref<128x32xf32, #tpu.memory_space<vmem>>, vector<16xf32>,
        %add3A_527 = arith.constant 0 : i32
        %add3A_528 = vector.broadcast %add3A_527 : i32 to vector<16xi32>
        %add3A_529 = arith.addi %iota3A, %add3A_528 : vector<16xi32>
        tpu.vector_store_idx %arg8[%add3A_529, %broadcast_in_dim3A_523], %get3A_526 : memref<32x129xf32, #tpu.memory_space<vmem>>[vector<16xi32>, vector<16xi32>], vector<16xf32>,
        %get3A_530 = arith.index_cast %scan3A_522 : i32 to index
        %get3A_531 = arith.constant 16 : index
        %get3A_532 = tpu.vector_load %arg6[%get3A_530, %get3A_531] {strides = array<i32>} : memref<128x32xf32, #tpu.memory_space<vmem>>, vector<16xf32>,
        %add3A_533 = arith.constant 16 : i32
        %add3A_534 = vector.broadcast %add3A_533 : i32 to vector<16xi32>
        %add3A_535 = arith.addi %iota3A, %add3A_534 : vector<16xi32>
        tpu.vector_store_idx %arg8[%add3A_535, %broadcast_in_dim3A_523], %get3A_532 : memref<32x129xf32, #tpu.memory_space<vmem>>[vector<16xi32>, vector<16xi32>], vector<16xf32>,
        %scan3A_536 = arith.constant 10 : i32
        %scan3A_537 = arith.addi %scan3A_389, %scan3A_536 : i32
        %broadcast_in_dim3A_538 = vector.broadcast %scan3A_537 : i32 to vector<16xi32>
        %get3A_539 = arith.index_cast %scan3A_537 : i32 to index
        %get3A_540 = arith.constant 0 : index
        %get3A_541 = tpu.vector_load %arg6[%get3A_539, %get3A_540] {strides = array<i32>} : memref<128x32xf32, #tpu.memory_space<vmem>>, vector<16xf32>,
        %add3A_542 = arith.constant 0 : i32
        %add3A_543 = vector.broadcast %add3A_542 : i32 to vector<16xi32>
        %add3A_544 = arith.addi %iota3A, %add3A_543 : vector<16xi32>
        tpu.vector_store_idx %arg8[%add3A_544, %broadcast_in_dim3A_538], %get3A_541 : memref<32x129xf32, #tpu.memory_space<vmem>>[vector<16xi32>, vector<16xi32>], vector<16xf32>,
        %get3A_545 = arith.index_cast %scan3A_537 : i32 to index
        %get3A_546 = arith.constant 16 : index
        %get3A_547 = tpu.vector_load %arg6[%get3A_545, %get3A_546] {strides = array<i32>} : memref<128x32xf32, #tpu.memory_space<vmem>>, vector<16xf32>,
        %add3A_548 = arith.constant 16 : i32
        %add3A_549 = vector.broadcast %add3A_548 : i32 to vector<16xi32>
        %add3A_550 = arith.addi %iota3A, %add3A_549 : vector<16xi32>
        tpu.vector_store_idx %arg8[%add3A_550, %broadcast_in_dim3A_538], %get3A_547 : memref<32x129xf32, #tpu.memory_space<vmem>>[vector<16xi32>, vector<16xi32>], vector<16xf32>,
        %scan3A_551 = arith.constant 11 : i32
        %scan3A_552 = arith.addi %scan3A_389, %scan3A_551 : i32
        %broadcast_in_dim3A_553 = vector.broadcast %scan3A_552 : i32 to vector<16xi32>
        %get3A_554 = arith.index_cast %scan3A_552 : i32 to index
        %get3A_555 = arith.constant 0 : index
        %get3A_556 = tpu.vector_load %arg6[%get3A_554, %get3A_555] {strides = array<i32>} : memref<128x32xf32, #tpu.memory_space<vmem>>, vector<16xf32>,
        %add3A_557 = arith.constant 0 : i32
        %add3A_558 = vector.broadcast %add3A_557 : i32 to vector<16xi32>
        %add3A_559 = arith.addi %iota3A, %add3A_558 : vector<16xi32>
        tpu.vector_store_idx %arg8[%add3A_559, %broadcast_in_dim3A_553], %get3A_556 : memref<32x129xf32, #tpu.memory_space<vmem>>[vector<16xi32>, vector<16xi32>], vector<16xf32>,
        %get3A_560 = arith.index_cast %scan3A_552 : i32 to index
        %get3A_561 = arith.constant 16 : index
        %get3A_562 = tpu.vector_load %arg6[%get3A_560, %get3A_561] {strides = array<i32>} : memref<128x32xf32, #tpu.memory_space<vmem>>, vector<16xf32>,
        %add3A_563 = arith.constant 16 : i32
        %add3A_564 = vector.broadcast %add3A_563 : i32 to vector<16xi32>
        %add3A_565 = arith.addi %iota3A, %add3A_564 : vector<16xi32>
        tpu.vector_store_idx %arg8[%add3A_565, %broadcast_in_dim3A_553], %get3A_562 : memref<32x129xf32, #tpu.memory_space<vmem>>[vector<16xi32>, vector<16xi32>], vector<16xf32>,
        %scan3A_566 = arith.constant 12 : i32
        %scan3A_567 = arith.addi %scan3A_389, %scan3A_566 : i32
        %broadcast_in_dim3A_568 = vector.broadcast %scan3A_567 : i32 to vector<16xi32>
        %get3A_569 = arith.index_cast %scan3A_567 : i32 to index
        %get3A_570 = arith.constant 0 : index
        %get3A_571 = tpu.vector_load %arg6[%get3A_569, %get3A_570] {strides = array<i32>} : memref<128x32xf32, #tpu.memory_space<vmem>>, vector<16xf32>,
        %add3A_572 = arith.constant 0 : i32
        %add3A_573 = vector.broadcast %add3A_572 : i32 to vector<16xi32>
        %add3A_574 = arith.addi %iota3A, %add3A_573 : vector<16xi32>
        tpu.vector_store_idx %arg8[%add3A_574, %broadcast_in_dim3A_568], %get3A_571 : memref<32x129xf32, #tpu.memory_space<vmem>>[vector<16xi32>, vector<16xi32>], vector<16xf32>,
        %get3A_575 = arith.index_cast %scan3A_567 : i32 to index
        %get3A_576 = arith.constant 16 : index
        %get3A_577 = tpu.vector_load %arg6[%get3A_575, %get3A_576] {strides = array<i32>} : memref<128x32xf32, #tpu.memory_space<vmem>>, vector<16xf32>,
        %add3A_578 = arith.constant 16 : i32
        %add3A_579 = vector.broadcast %add3A_578 : i32 to vector<16xi32>
        %add3A_580 = arith.addi %iota3A, %add3A_579 : vector<16xi32>
        tpu.vector_store_idx %arg8[%add3A_580, %broadcast_in_dim3A_568], %get3A_577 : memref<32x129xf32, #tpu.memory_space<vmem>>[vector<16xi32>, vector<16xi32>], vector<16xf32>,
        %scan3A_581 = arith.constant 13 : i32
        %scan3A_582 = arith.addi %scan3A_389, %scan3A_581 : i32
        %broadcast_in_dim3A_583 = vector.broadcast %scan3A_582 : i32 to vector<16xi32>
        %get3A_584 = arith.index_cast %scan3A_582 : i32 to index
        %get3A_585 = arith.constant 0 : index
        %get3A_586 = tpu.vector_load %arg6[%get3A_584, %get3A_585] {strides = array<i32>} : memref<128x32xf32, #tpu.memory_space<vmem>>, vector<16xf32>,
        %add3A_587 = arith.constant 0 : i32
        %add3A_588 = vector.broadcast %add3A_587 : i32 to vector<16xi32>
        %add3A_589 = arith.addi %iota3A, %add3A_588 : vector<16xi32>
        tpu.vector_store_idx %arg8[%add3A_589, %broadcast_in_dim3A_583], %get3A_586 : memref<32x129xf32, #tpu.memory_space<vmem>>[vector<16xi32>, vector<16xi32>], vector<16xf32>,
        %get3A_590 = arith.index_cast %scan3A_582 : i32 to index
        %get3A_591 = arith.constant 16 : index
        %get3A_592 = tpu.vector_load %arg6[%get3A_590, %get3A_591] {strides = array<i32>} : memref<128x32xf32, #tpu.memory_space<vmem>>, vector<16xf32>,
        %add3A_593 = arith.constant 16 : i32
        %add3A_594 = vector.broadcast %add3A_593 : i32 to vector<16xi32>
        %add3A_595 = arith.addi %iota3A, %add3A_594 : vector<16xi32>
        tpu.vector_store_idx %arg8[%add3A_595, %broadcast_in_dim3A_583], %get3A_592 : memref<32x129xf32, #tpu.memory_space<vmem>>[vector<16xi32>, vector<16xi32>], vector<16xf32>,
        %scan3A_596 = arith.constant 14 : i32
        %scan3A_597 = arith.addi %scan3A_389, %scan3A_596 : i32
        %broadcast_in_dim3A_598 = vector.broadcast %scan3A_597 : i32 to vector<16xi32>
        %get3A_599 = arith.index_cast %scan3A_597 : i32 to index
        %get3A_600 = arith.constant 0 : index
        %get3A_601 = tpu.vector_load %arg6[%get3A_599, %get3A_600] {strides = array<i32>} : memref<128x32xf32, #tpu.memory_space<vmem>>, vector<16xf32>,
        %add3A_602 = arith.constant 0 : i32
        %add3A_603 = vector.broadcast %add3A_602 : i32 to vector<16xi32>
        %add3A_604 = arith.addi %iota3A, %add3A_603 : vector<16xi32>
        tpu.vector_store_idx %arg8[%add3A_604, %broadcast_in_dim3A_598], %get3A_601 : memref<32x129xf32, #tpu.memory_space<vmem>>[vector<16xi32>, vector<16xi32>], vector<16xf32>,
        %get3A_605 = arith.index_cast %scan3A_597 : i32 to index
        %get3A_606 = arith.constant 16 : index
        %get3A_607 = tpu.vector_load %arg6[%get3A_605, %get3A_606] {strides = array<i32>} : memref<128x32xf32, #tpu.memory_space<vmem>>, vector<16xf32>,
        %add3A_608 = arith.constant 16 : i32
        %add3A_609 = vector.broadcast %add3A_608 : i32 to vector<16xi32>
        %add3A_610 = arith.addi %iota3A, %add3A_609 : vector<16xi32>
        tpu.vector_store_idx %arg8[%add3A_610, %broadcast_in_dim3A_598], %get3A_607 : memref<32x129xf32, #tpu.memory_space<vmem>>[vector<16xi32>, vector<16xi32>], vector<16xf32>,
        %scan3A_611 = arith.constant 15 : i32
        %scan3A_612 = arith.addi %scan3A_389, %scan3A_611 : i32
        %broadcast_in_dim3A_613 = vector.broadcast %scan3A_612 : i32 to vector<16xi32>
        %get3A_614 = arith.index_cast %scan3A_612 : i32 to index
        %get3A_615 = arith.constant 0 : index
        %get3A_616 = tpu.vector_load %arg6[%get3A_614, %get3A_615] {strides = array<i32>} : memref<128x32xf32, #tpu.memory_space<vmem>>, vector<16xf32>,
        %add3A_617 = arith.constant 0 : i32
        %add3A_618 = vector.broadcast %add3A_617 : i32 to vector<16xi32>
        %add3A_619 = arith.addi %iota3A, %add3A_618 : vector<16xi32>
        tpu.vector_store_idx %arg8[%add3A_619, %broadcast_in_dim3A_613], %get3A_616 : memref<32x129xf32, #tpu.memory_space<vmem>>[vector<16xi32>, vector<16xi32>], vector<16xf32>,
        %get3A_620 = arith.index_cast %scan3A_612 : i32 to index
        %get3A_621 = arith.constant 16 : index
        %get3A_622 = tpu.vector_load %arg6[%get3A_620, %get3A_621] {strides = array<i32>} : memref<128x32xf32, #tpu.memory_space<vmem>>, vector<16xf32>,
        %add3A_623 = arith.constant 16 : i32
        %add3A_624 = vector.broadcast %add3A_623 : i32 to vector<16xi32>
        %add3A_625 = arith.addi %iota3A, %add3A_624 : vector<16xi32>
        tpu.vector_store_idx %arg8[%add3A_625, %broadcast_in_dim3A_613], %get3A_622 : memref<32x129xf32, #tpu.memory_space<vmem>>[vector<16xi32>, vector<16xi32>], vector<16xf32>,
      }
      %scan3A_200 = arith.constant 128 : i32
      %dma_start3A_201 = arith.constant 0 : i32
      %dma_start3A_202 = arith.constant 0 : i32
      %dma_start3A_203 = arith.constant 0 : i32
      %dma_start3A_204 = tpu.memref_slice %arg8[%dma_start3A_202, %dma_start3A_203] : memref<32x129xf32, #tpu.memory_space<vmem>> -> memref<8x128xf32, #tpu.memory_space<vmem>>
      %dma_start3A_205 = arith.constant 0 : i32
      %dma_start3A_206 = arith.constant 0 : i32
      %dma_start3A_207 = tpu.memref_slice %arg4[%mul3A_148, %dma_start3A_201, %add3A, %dma_start3A_205, %dma_start3A_206] : memref<200x4x32x8x128xf32, #tpu.memory_space<hbm>> -> memref<1x1x1x8x128xf32, #tpu.memory_space<hbm>>
      %dma_start3A_208 = tpu.memref_squeeze %dma_start3A_207 : memref<1x1x1x8x128xf32, #tpu.memory_space<hbm>> -> memref<8x128xf32, #tpu.memory_space<hbm>>
      %dma_start3A_209 = arith.constant 0 : i32
      %dma_start3A_210 = arith.constant 0 : i32
      %dma_start3A_211 = tpu.memref_slice %arg4[%mul3A_148, %dma_start3A_201, %add3A, %dma_start3A_209, %dma_start3A_210] : memref<200x4x32x8x128xf32, #tpu.memory_space<hbm>> -> memref<1x1x1x8x128xf32, #tpu.memory_space<hbm>>
      %dma_start3A_212 = tpu.memref_squeeze %dma_start3A_211 : memref<1x1x1x8x128xf32, #tpu.memory_space<hbm>> -> memref<8x128xf32, #tpu.memory_space<hbm>>
      %dma_start3A_213 = arith.constant 0 : i32
      %dma_start3A_214 = arith.constant 0 : i32
      %dma_start3A_215 = tpu.memref_slice %arg8[%dma_start3A_213, %dma_start3A_214] : memref<32x129xf32, #tpu.memory_space<vmem>> -> memref<8x128xf32, #tpu.memory_space<vmem>>
      tpu.enqueue_dma source(%dma_start3A_215 : memref<8x128xf32, #tpu.memory_space<vmem>>) target(%dma_start3A_212 : memref<8x128xf32, #tpu.memory_space<hbm>>) target_semaphore(%arg12 : memref<!tpu.dma_semaphore, #tpu.memory_space<semaphore_mem>>)
      %dma_start3A_216 = arith.constant 1 : i32
      %dma_start3A_217 = arith.constant 8 : i32
      %dma_start3A_218 = arith.constant 0 : i32
      %dma_start3A_219 = tpu.memref_slice %arg8[%dma_start3A_217, %dma_start3A_218] : memref<32x129xf32, #tpu.memory_space<vmem>> -> memref<8x128xf32, #tpu.memory_space<vmem>>
      %dma_start3A_220 = arith.constant 0 : i32
      %dma_start3A_221 = arith.constant 0 : i32
      %dma_start3A_222 = tpu.memref_slice %arg4[%mul3A_148, %dma_start3A_216, %add3A, %dma_start3A_220, %dma_start3A_221] : memref<200x4x32x8x128xf32, #tpu.memory_space<hbm>> -> memref<1x1x1x8x128xf32, #tpu.memory_space<hbm>>
      %dma_start3A_223 = tpu.memref_squeeze %dma_start3A_222 : memref<1x1x1x8x128xf32, #tpu.memory_space<hbm>> -> memref<8x128xf32, #tpu.memory_space<hbm>>
      %dma_start3A_224 = arith.constant 0 : i32
      %dma_start3A_225 = arith.constant 0 : i32
      %dma_start3A_226 = tpu.memref_slice %arg4[%mul3A_148, %dma_start3A_216, %add3A, %dma_start3A_224, %dma_start3A_225] : memref<200x4x32x8x128xf32, #tpu.memory_space<hbm>> -> memref<1x1x1x8x128xf32, #tpu.memory_space<hbm>>
      %dma_start3A_227 = tpu.memref_squeeze %dma_start3A_226 : memref<1x1x1x8x128xf32, #tpu.memory_space<hbm>> -> memref<8x128xf32, #tpu.memory_space<hbm>>
      %dma_start3A_228 = arith.constant 8 : i32
      %dma_start3A_229 = arith.constant 0 : i32
      %dma_start3A_230 = tpu.memref_slice %arg8[%dma_start3A_228, %dma_start3A_229] : memref<32x129xf32, #tpu.memory_space<vmem>> -> memref<8x128xf32, #tpu.memory_space<vmem>>
      tpu.enqueue_dma source(%dma_start3A_230 : memref<8x128xf32, #tpu.memory_space<vmem>>) target(%dma_start3A_227 : memref<8x128xf32, #tpu.memory_space<hbm>>) target_semaphore(%arg12 : memref<!tpu.dma_semaphore, #tpu.memory_space<semaphore_mem>>)
      %dma_start3A_231 = arith.constant 2 : i32
      %dma_start3A_232 = arith.constant 16 : i32
      %dma_start3A_233 = arith.constant 0 : i32
      %dma_start3A_234 = tpu.memref_slice %arg8[%dma_start3A_232, %dma_start3A_233] : memref<32x129xf32, #tpu.memory_space<vmem>> -> memref<8x128xf32, #tpu.memory_space<vmem>>
      %dma_start3A_235 = arith.constant 0 : i32
      %dma_start3A_236 = arith.constant 0 : i32
      %dma_start3A_237 = tpu.memref_slice %arg4[%mul3A_148, %dma_start3A_231, %add3A, %dma_start3A_235, %dma_start3A_236] : memref<200x4x32x8x128xf32, #tpu.memory_space<hbm>> -> memref<1x1x1x8x128xf32, #tpu.memory_space<hbm>>
      %dma_start3A_238 = tpu.memref_squeeze %dma_start3A_237 : memref<1x1x1x8x128xf32, #tpu.memory_space<hbm>> -> memref<8x128xf32, #tpu.memory_space<hbm>>
      %dma_start3A_239 = arith.constant 0 : i32
      %dma_start3A_240 = arith.constant 0 : i32
      %dma_start3A_241 = tpu.memref_slice %arg4[%mul3A_148, %dma_start3A_231, %add3A, %dma_start3A_239, %dma_start3A_240] : memref<200x4x32x8x128xf32, #tpu.memory_space<hbm>> -> memref<1x1x1x8x128xf32, #tpu.memory_space<hbm>>
      %dma_start3A_242 = tpu.memref_squeeze %dma_start3A_241 : memref<1x1x1x8x128xf32, #tpu.memory_space<hbm>> -> memref<8x128xf32, #tpu.memory_space<hbm>>
      %dma_start3A_243 = arith.constant 16 : i32
      %dma_start3A_244 = arith.constant 0 : i32
      %dma_start3A_245 = tpu.memref_slice %arg8[%dma_start3A_243, %dma_start3A_244] : memref<32x129xf32, #tpu.memory_space<vmem>> -> memref<8x128xf32, #tpu.memory_space<vmem>>
      tpu.enqueue_dma source(%dma_start3A_245 : memref<8x128xf32, #tpu.memory_space<vmem>>) target(%dma_start3A_242 : memref<8x128xf32, #tpu.memory_space<hbm>>) target_semaphore(%arg12 : memref<!tpu.dma_semaphore, #tpu.memory_space<semaphore_mem>>)
      %dma_start3A_246 = arith.constant 3 : i32
      %dma_start3A_247 = arith.constant 24 : i32
      %dma_start3A_248 = arith.constant 0 : i32
      %dma_start3A_249 = tpu.memref_slice %arg8[%dma_start3A_247, %dma_start3A_248] : memref<32x129xf32, #tpu.memory_space<vmem>> -> memref<8x128xf32, #tpu.memory_space<vmem>>
      %dma_start3A_250 = arith.constant 0 : i32
      %dma_start3A_251 = arith.constant 0 : i32
      %dma_start3A_252 = tpu.memref_slice %arg4[%mul3A_148, %dma_start3A_246, %add3A, %dma_start3A_250, %dma_start3A_251] : memref<200x4x32x8x128xf32, #tpu.memory_space<hbm>> -> memref<1x1x1x8x128xf32, #tpu.memory_space<hbm>>
      %dma_start3A_253 = tpu.memref_squeeze %dma_start3A_252 : memref<1x1x1x8x128xf32, #tpu.memory_space<hbm>> -> memref<8x128xf32, #tpu.memory_space<hbm>>
      %dma_start3A_254 = arith.constant 0 : i32
      %dma_start3A_255 = arith.constant 0 : i32
      %dma_start3A_256 = tpu.memref_slice %arg4[%mul3A_148, %dma_start3A_246, %add3A, %dma_start3A_254, %dma_start3A_255] : memref<200x4x32x8x128xf32, #tpu.memory_space<hbm>> -> memref<1x1x1x8x128xf32, #tpu.memory_space<hbm>>
      %dma_start3A_257 = tpu.memref_squeeze %dma_start3A_256 : memref<1x1x1x8x128xf32, #tpu.memory_space<hbm>> -> memref<8x128xf32, #tpu.memory_space<hbm>>
      %dma_start3A_258 = arith.constant 24 : i32
      %dma_start3A_259 = arith.constant 0 : i32
      %dma_start3A_260 = tpu.memref_slice %arg8[%dma_start3A_258, %dma_start3A_259] : memref<32x129xf32, #tpu.memory_space<vmem>> -> memref<8x128xf32, #tpu.memory_space<vmem>>
      tpu.enqueue_dma source(%dma_start3A_260 : memref<8x128xf32, #tpu.memory_space<vmem>>) target(%dma_start3A_257 : memref<8x128xf32, #tpu.memory_space<hbm>>) target_semaphore(%arg12 : memref<!tpu.dma_semaphore, #tpu.memory_space<semaphore_mem>>)
      %add3A_261 = arith.constant 2 : i32
      %add3A_262 = arith.addi %mul3A_148, %add3A_261 : i32
      %min3A = arith.constant 199 : i32
      %min3A_263 = arith.minsi %add3A_262, %min3A : i32
      %jit3A_264 = arith.constant 8 : i32
      %div3A_265 = arith.divsi %min3A_263, %jit3A_264 : i32
      %sign3A_266 = arith.constant 0 : i32
      %sign3A_267 = arith.cmpi sgt, %min3A_263, %sign3A_266 : i32
      %sign3A_268 = arith.extui %sign3A_267 : i1 to i32
      %sign3A_269 = arith.constant 0 : i32
      %sign3A_270 = arith.cmpi slt, %min3A_263, %sign3A_269 : i32
      %sign3A_271 = arith.extui %sign3A_270 : i1 to i32
      %sign3A_272 = arith.subi %sign3A_268, %sign3A_271 : i32
      %sign3A_273 = arith.constant 0 : i32
      %sign3A_274 = arith.cmpi sgt, %jit3A_264, %sign3A_273 : i32
      %sign3A_275 = arith.extui %sign3A_274 : i1 to i32
      %sign3A_276 = arith.constant 0 : i32
      %sign3A_277 = arith.cmpi slt, %jit3A_264, %sign3A_276 : i32
      %sign3A_278 = arith.extui %sign3A_277 : i1 to i32
      %sign3A_279 = arith.subi %sign3A_275, %sign3A_278 : i32
      %ne3A_280 = arith.cmpi ne, %sign3A_272, %sign3A_279 : i32
      %rem3A_281 = arith.remsi %min3A_263, %jit3A_264 : i32
      %ne3A_282 = arith.constant 0 : i32
      %ne3A_283 = arith.cmpi ne, %rem3A_281, %ne3A_282 : i32
      %and3A_284 = arith.andi %ne3A_280, %ne3A_283 : i1
      %sub3A_285 = arith.constant 1 : i32
      %sub3A_286 = arith.subi %div3A_265, %sub3A_285 : i32
      %select_n3A_287 = arith.select %and3A_284, %sub3A_286, %div3A_265 : i32
      %jit3A_288 = arith.constant 8 : i32
      %eq3A_289 = arith.constant 0 : i32
      %eq3A_290 = arith.cmpi eq, %jit3A_288, %eq3A_289 : i32
      %jit3A_291 = arith.constant 1 : i32
      %select_n3A_292 = arith.select %eq3A_290, %jit3A_291, %jit3A_288 : i32
      %rem3A_293 = arith.remsi %min3A_263, %select_n3A_292 : i32
      %ne3A_294 = arith.constant 0 : i32
      %ne3A_295 = arith.cmpi ne, %rem3A_293, %ne3A_294 : i32
      %lt3A_296 = arith.constant 0 : i32
      %lt3A_297 = arith.cmpi slt, %rem3A_293, %lt3A_296 : i32
      %lt3A_298 = arith.constant 0 : i32
      %lt3A_299 = arith.cmpi slt, %select_n3A_292, %lt3A_298 : i32
      %ne3A_300 = arith.xori %lt3A_297, %lt3A_299 : i1
      %and3A_301 = arith.andi %ne3A_300, %ne3A_295 : i1
      %add3A_302 = arith.addi %rem3A_293, %select_n3A_292 : i32
      %select_n3A_303 = arith.select %and3A_301, %add3A_302, %rem3A_293 : i32
      %dma_start3A_304 = arith.constant 0 : i32
      %dma_start3A_305 = tpu.memref_slice %arg5[%select_n3A_287, %select_n3A_303, %dma_start3A_304] : memref<25x8x128xi32, #tpu.memory_space<vmem>> -> memref<1x1x128xi32, #tpu.memory_space<vmem>>
      %dma_start3A_306 = tpu.memref_squeeze %dma_start3A_305 : memref<1x1x128xi32, #tpu.memory_space<vmem>> -> memref<128xi32, #tpu.memory_space<vmem>>
      %dma_start3A_307 = arith.constant 0 : i32
      %dma_start3A_308 = arith.constant 0 : i32
      %dma_start3A_309 = tpu.memref_slice %arg3[%dma_start3A_307, %dma_start3A_308] : memref<1000000x32xf32, #tpu.memory_space<hbm>> -> memref<1000000x32xf32, #tpu.memory_space<hbm>>
      tpu.enqueue_indirect_dma source(%dma_start3A_309 : memref<1000000x32xf32, #tpu.memory_space<hbm>>) target(%arg6 : memref<128x32xf32, #tpu.memory_space<vmem>>) offsets(%dma_start3A_306 : memref<128xi32, #tpu.memory_space<vmem>>) semaphore(%arg10 : memref<!tpu.dma_semaphore, #tpu.memory_space<semaphore_mem>>)
      %dma_wait3A_310 = arith.constant 0 : i32
      %dma_wait3A_311 = arith.constant 0 : i32
      %dma_wait3A_312 = tpu.memref_slice %arg3[%dma_wait3A_310, %dma_wait3A_311] : memref<1000000x32xf32, #tpu.memory_space<hbm>> -> memref<128x32xf32, #tpu.memory_space<hbm>>
      %dma_wait3A_313 = arith.constant 0 : i32
      %dma_wait3A_314 = arith.constant 0 : i32
      %dma_wait3A_315 = tpu.memref_slice %arg3[%dma_wait3A_313, %dma_wait3A_314] : memref<1000000x32xf32, #tpu.memory_space<hbm>> -> memref<128x32xf32, #tpu.memory_space<hbm>>
      tpu.wait_dma2 semaphore(%arg11 : memref<!tpu.dma_semaphore, #tpu.memory_space<semaphore_mem>>) src(%dma_wait3A_315 : memref<128x32xf32, #tpu.memory_space<hbm>>) dst(%arg7 : memref<128x32xf32, #tpu.memory_space<vmem>>)
      %gt3A_316 = arith.constant 0 : i32
      %gt3A_317 = arith.cmpi sgt, %scan3A_146, %gt3A_316 : i32
      %convert_element_type3A_318 = arith.extui %gt3A_317 : i1 to i32
      %cond3A_319 = arith.constant 0 : i32
      %cond3A_320 = arith.cmpi ne, %convert_element_type3A_318, %cond3A_319 : i32
      scf.if %cond3A_320 {
        %dma_wait3A_389 = arith.constant 0 : i32
        %dma_wait3A_390 = arith.constant 0 : i32
        %dma_wait3A_391 = arith.constant 0 : i32
        %dma_wait3A_392 = arith.constant 0 : i32
        %dma_wait3A_393 = tpu.memref_slice %arg9[%dma_wait3A_391, %dma_wait3A_392] : memref<32x129xf32, #tpu.memory_space<vmem>> -> memref<8x128xf32, #tpu.memory_space<vmem>>
        %dma_wait3A_394 = arith.constant 0 : i32
        %dma_wait3A_395 = arith.constant 0 : i32
        %dma_wait3A_396 = tpu.memref_slice %arg4[%dma_wait3A_389, %dma_wait3A_390, %add3A, %dma_wait3A_394, %dma_wait3A_395] : memref<200x4x32x8x128xf32, #tpu.memory_space<hbm>> -> memref<1x1x1x8x128xf32, #tpu.memory_space<hbm>>
        %dma_wait3A_397 = tpu.memref_squeeze %dma_wait3A_396 : memref<1x1x1x8x128xf32, #tpu.memory_space<hbm>> -> memref<8x128xf32, #tpu.memory_space<hbm>>
        %dma_wait3A_398 = arith.constant 0 : i32
        %dma_wait3A_399 = arith.constant 0 : i32
        %dma_wait3A_400 = tpu.memref_slice %arg4[%dma_wait3A_389, %dma_wait3A_390, %add3A, %dma_wait3A_398, %dma_wait3A_399] : memref<200x4x32x8x128xf32, #tpu.memory_space<hbm>> -> memref<1x1x1x8x128xf32, #tpu.memory_space<hbm>>
        %dma_wait3A_401 = tpu.memref_squeeze %dma_wait3A_400 : memref<1x1x1x8x128xf32, #tpu.memory_space<hbm>> -> memref<8x128xf32, #tpu.memory_space<hbm>>
        %dma_wait3A_402 = arith.constant 0 : i32
        %dma_wait3A_403 = arith.constant 0 : i32
        %dma_wait3A_404 = tpu.memref_slice %arg9[%dma_wait3A_402, %dma_wait3A_403] : memref<32x129xf32, #tpu.memory_space<vmem>> -> memref<8x128xf32, #tpu.memory_space<vmem>>
        tpu.wait_dma2 semaphore(%arg13 : memref<!tpu.dma_semaphore, #tpu.memory_space<semaphore_mem>>) src(%dma_wait3A_404 : memref<8x128xf32, #tpu.memory_space<vmem>>) dst(%dma_wait3A_401 : memref<8x128xf32, #tpu.memory_space<hbm>>)
        %dma_wait3A_405 = arith.constant 0 : i32
        %dma_wait3A_406 = arith.constant 1 : i32
        %dma_wait3A_407 = arith.constant 8 : i32
        %dma_wait3A_408 = arith.constant 0 : i32
        %dma_wait3A_409 = tpu.memref_slice %arg9[%dma_wait3A_407, %dma_wait3A_408] : memref<32x129xf32, #tpu.memory_space<vmem>> -> memref<8x128xf32, #tpu.memory_space<vmem>>
        %dma_wait3A_410 = arith.constant 0 : i32
        %dma_wait3A_411 = arith.constant 0 : i32
        %dma_wait3A_412 = tpu.memref_slice %arg4[%dma_wait3A_405, %dma_wait3A_406, %add3A, %dma_wait3A_410, %dma_wait3A_411] : memref<200x4x32x8x128xf32, #tpu.memory_space<hbm>> -> memref<1x1x1x8x128xf32, #tpu.memory_space<hbm>>
        %dma_wait3A_413 = tpu.memref_squeeze %dma_wait3A_412 : memref<1x1x1x8x128xf32, #tpu.memory_space<hbm>> -> memref<8x128xf32, #tpu.memory_space<hbm>>
        %dma_wait3A_414 = arith.constant 0 : i32
        %dma_wait3A_415 = arith.constant 0 : i32
        %dma_wait3A_416 = tpu.memref_slice %arg4[%dma_wait3A_405, %dma_wait3A_406, %add3A, %dma_wait3A_414, %dma_wait3A_415] : memref<200x4x32x8x128xf32, #tpu.memory_space<hbm>> -> memref<1x1x1x8x128xf32, #tpu.memory_space<hbm>>
        %dma_wait3A_417 = tpu.memref_squeeze %dma_wait3A_416 : memref<1x1x1x8x128xf32, #tpu.memory_space<hbm>> -> memref<8x128xf32, #tpu.memory_space<hbm>>
        %dma_wait3A_418 = arith.constant 8 : i32
        %dma_wait3A_419 = arith.constant 0 : i32
        %dma_wait3A_420 = tpu.memref_slice %arg9[%dma_wait3A_418, %dma_wait3A_419] : memref<32x129xf32, #tpu.memory_space<vmem>> -> memref<8x128xf32, #tpu.memory_space<vmem>>
        tpu.wait_dma2 semaphore(%arg13 : memref<!tpu.dma_semaphore, #tpu.memory_space<semaphore_mem>>) src(%dma_wait3A_420 : memref<8x128xf32, #tpu.memory_space<vmem>>) dst(%dma_wait3A_417 : memref<8x128xf32, #tpu.memory_space<hbm>>)
        %dma_wait3A_421 = arith.constant 0 : i32
        %dma_wait3A_422 = arith.constant 2 : i32
        %dma_wait3A_423 = arith.constant 16 : i32
        %dma_wait3A_424 = arith.constant 0 : i32
        %dma_wait3A_425 = tpu.memref_slice %arg9[%dma_wait3A_423, %dma_wait3A_424] : memref<32x129xf32, #tpu.memory_space<vmem>> -> memref<8x128xf32, #tpu.memory_space<vmem>>
        %dma_wait3A_426 = arith.constant 0 : i32
        %dma_wait3A_427 = arith.constant 0 : i32
        %dma_wait3A_428 = tpu.memref_slice %arg4[%dma_wait3A_421, %dma_wait3A_422, %add3A, %dma_wait3A_426, %dma_wait3A_427] : memref<200x4x32x8x128xf32, #tpu.memory_space<hbm>> -> memref<1x1x1x8x128xf32, #tpu.memory_space<hbm>>
        %dma_wait3A_429 = tpu.memref_squeeze %dma_wait3A_428 : memref<1x1x1x8x128xf32, #tpu.memory_space<hbm>> -> memref<8x128xf32, #tpu.memory_space<hbm>>
        %dma_wait3A_430 = arith.constant 0 : i32
        %dma_wait3A_431 = arith.constant 0 : i32
        %dma_wait3A_432 = tpu.memref_slice %arg4[%dma_wait3A_421, %dma_wait3A_422, %add3A, %dma_wait3A_430, %dma_wait3A_431] : memref<200x4x32x8x128xf32, #tpu.memory_space<hbm>> -> memref<1x1x1x8x128xf32, #tpu.memory_space<hbm>>
        %dma_wait3A_433 = tpu.memref_squeeze %dma_wait3A_432 : memref<1x1x1x8x128xf32, #tpu.memory_space<hbm>> -> memref<8x128xf32, #tpu.memory_space<hbm>>
        %dma_wait3A_434 = arith.constant 16 : i32
        %dma_wait3A_435 = arith.constant 0 : i32
        %dma_wait3A_436 = tpu.memref_slice %arg9[%dma_wait3A_434, %dma_wait3A_435] : memref<32x129xf32, #tpu.memory_space<vmem>> -> memref<8x128xf32, #tpu.memory_space<vmem>>
        tpu.wait_dma2 semaphore(%arg13 : memref<!tpu.dma_semaphore, #tpu.memory_space<semaphore_mem>>) src(%dma_wait3A_436 : memref<8x128xf32, #tpu.memory_space<vmem>>) dst(%dma_wait3A_433 : memref<8x128xf32, #tpu.memory_space<hbm>>)
        %dma_wait3A_437 = arith.constant 0 : i32
        %dma_wait3A_438 = arith.constant 3 : i32
        %dma_wait3A_439 = arith.constant 24 : i32
        %dma_wait3A_440 = arith.constant 0 : i32
        %dma_wait3A_441 = tpu.memref_slice %arg9[%dma_wait3A_439, %dma_wait3A_440] : memref<32x129xf32, #tpu.memory_space<vmem>> -> memref<8x128xf32, #tpu.memory_space<vmem>>
        %dma_wait3A_442 = arith.constant 0 : i32
        %dma_wait3A_443 = arith.constant 0 : i32
        %dma_wait3A_444 = tpu.memref_slice %arg4[%dma_wait3A_437, %dma_wait3A_438, %add3A, %dma_wait3A_442, %dma_wait3A_443] : memref<200x4x32x8x128xf32, #tpu.memory_space<hbm>> -> memref<1x1x1x8x128xf32, #tpu.memory_space<hbm>>
        %dma_wait3A_445 = tpu.memref_squeeze %dma_wait3A_444 : memref<1x1x1x8x128xf32, #tpu.memory_space<hbm>> -> memref<8x128xf32, #tpu.memory_space<hbm>>
        %dma_wait3A_446 = arith.constant 0 : i32
        %dma_wait3A_447 = arith.constant 0 : i32
        %dma_wait3A_448 = tpu.memref_slice %arg4[%dma_wait3A_437, %dma_wait3A_438, %add3A, %dma_wait3A_446, %dma_wait3A_447] : memref<200x4x32x8x128xf32, #tpu.memory_space<hbm>> -> memref<1x1x1x8x128xf32, #tpu.memory_space<hbm>>
        %dma_wait3A_449 = tpu.memref_squeeze %dma_wait3A_448 : memref<1x1x1x8x128xf32, #tpu.memory_space<hbm>> -> memref<8x128xf32, #tpu.memory_space<hbm>>
        %dma_wait3A_450 = arith.constant 24 : i32
        %dma_wait3A_451 = arith.constant 0 : i32
        %dma_wait3A_452 = tpu.memref_slice %arg9[%dma_wait3A_450, %dma_wait3A_451] : memref<32x129xf32, #tpu.memory_space<vmem>> -> memref<8x128xf32, #tpu.memory_space<vmem>>
        tpu.wait_dma2 semaphore(%arg13 : memref<!tpu.dma_semaphore, #tpu.memory_space<semaphore_mem>>) src(%dma_wait3A_452 : memref<8x128xf32, #tpu.memory_space<vmem>>) dst(%dma_wait3A_449 : memref<8x128xf32, #tpu.memory_space<hbm>>)
      } else {
      }
      %scan3A_321 = arith.constant 0 : i32
      %scan3A_322 = arith.constant 0 : i32
      %scan3A_323 = arith.constant 128 : i32
      %scan3A_324 = arith.addi %scan3A_322, %scan3A_323 : i32
      %scan3A_325 = arith.constant 16 : i32
      scf.for %scan3A_389 = %scan3A_322 to %scan3A_324 step %scan3A_325  : i32 {
        %broadcast_in_dim3A = vector.broadcast %scan3A_389 : i32 to vector<16xi32>
        %get3A = arith.index_cast %scan3A_389 : i32 to index
        %get3A_390 = arith.constant 0 : index
        %get3A_391 = tpu.vector_load %arg7[%get3A, %get3A_390] {strides = array<i32>} : memref<128x32xf32, #tpu.memory_space<vmem>>, vector<16xf32>,
        %add3A_392 = arith.constant 0 : i32
        %add3A_393 = vector.broadcast %add3A_392 : i32 to vector<16xi32>
        %add3A_394 = arith.addi %iota3A, %add3A_393 : vector<16xi32>
        tpu.vector_store_idx %arg9[%add3A_394, %broadcast_in_dim3A], %get3A_391 : memref<32x129xf32, #tpu.memory_space<vmem>>[vector<16xi32>, vector<16xi32>], vector<16xf32>,
        %get3A_395 = arith.index_cast %scan3A_389 : i32 to index
        %get3A_396 = arith.constant 16 : index
        %get3A_397 = tpu.vector_load %arg7[%get3A_395, %get3A_396] {strides = array<i32>} : memref<128x32xf32, #tpu.memory_space<vmem>>, vector<16xf32>,
        %add3A_398 = arith.constant 16 : i32
        %add3A_399 = vector.broadcast %add3A_398 : i32 to vector<16xi32>
        %add3A_400 = arith.addi %iota3A, %add3A_399 : vector<16xi32>
        tpu.vector_store_idx %arg9[%add3A_400, %broadcast_in_dim3A], %get3A_397 : memref<32x129xf32, #tpu.memory_space<vmem>>[vector<16xi32>, vector<16xi32>], vector<16xf32>,
        %scan3A_401 = arith.constant 1 : i32
        %scan3A_402 = arith.addi %scan3A_389, %scan3A_401 : i32
        %broadcast_in_dim3A_403 = vector.broadcast %scan3A_402 : i32 to vector<16xi32>
        %get3A_404 = arith.index_cast %scan3A_402 : i32 to index
        %get3A_405 = arith.constant 0 : index
        %get3A_406 = tpu.vector_load %arg7[%get3A_404, %get3A_405] {strides = array<i32>} : memref<128x32xf32, #tpu.memory_space<vmem>>, vector<16xf32>,
        %add3A_407 = arith.constant 0 : i32
        %add3A_408 = vector.broadcast %add3A_407 : i32 to vector<16xi32>
        %add3A_409 = arith.addi %iota3A, %add3A_408 : vector<16xi32>
        tpu.vector_store_idx %arg9[%add3A_409, %broadcast_in_dim3A_403], %get3A_406 : memref<32x129xf32, #tpu.memory_space<vmem>>[vector<16xi32>, vector<16xi32>], vector<16xf32>,
        %get3A_410 = arith.index_cast %scan3A_402 : i32 to index
        %get3A_411 = arith.constant 16 : index
        %get3A_412 = tpu.vector_load %arg7[%get3A_410, %get3A_411] {strides = array<i32>} : memref<128x32xf32, #tpu.memory_space<vmem>>, vector<16xf32>,
        %add3A_413 = arith.constant 16 : i32
        %add3A_414 = vector.broadcast %add3A_413 : i32 to vector<16xi32>
        %add3A_415 = arith.addi %iota3A, %add3A_414 : vector<16xi32>
        tpu.vector_store_idx %arg9[%add3A_415, %broadcast_in_dim3A_403], %get3A_412 : memref<32x129xf32, #tpu.memory_space<vmem>>[vector<16xi32>, vector<16xi32>], vector<16xf32>,
        %scan3A_416 = arith.constant 2 : i32
        %scan3A_417 = arith.addi %scan3A_389, %scan3A_416 : i32
        %broadcast_in_dim3A_418 = vector.broadcast %scan3A_417 : i32 to vector<16xi32>
        %get3A_419 = arith.index_cast %scan3A_417 : i32 to index
        %get3A_420 = arith.constant 0 : index
        %get3A_421 = tpu.vector_load %arg7[%get3A_419, %get3A_420] {strides = array<i32>} : memref<128x32xf32, #tpu.memory_space<vmem>>, vector<16xf32>,
        %add3A_422 = arith.constant 0 : i32
        %add3A_423 = vector.broadcast %add3A_422 : i32 to vector<16xi32>
        %add3A_424 = arith.addi %iota3A, %add3A_423 : vector<16xi32>
        tpu.vector_store_idx %arg9[%add3A_424, %broadcast_in_dim3A_418], %get3A_421 : memref<32x129xf32, #tpu.memory_space<vmem>>[vector<16xi32>, vector<16xi32>], vector<16xf32>,
        %get3A_425 = arith.index_cast %scan3A_417 : i32 to index
        %get3A_426 = arith.constant 16 : index
        %get3A_427 = tpu.vector_load %arg7[%get3A_425, %get3A_426] {strides = array<i32>} : memref<128x32xf32, #tpu.memory_space<vmem>>, vector<16xf32>,
        %add3A_428 = arith.constant 16 : i32
        %add3A_429 = vector.broadcast %add3A_428 : i32 to vector<16xi32>
        %add3A_430 = arith.addi %iota3A, %add3A_429 : vector<16xi32>
        tpu.vector_store_idx %arg9[%add3A_430, %broadcast_in_dim3A_418], %get3A_427 : memref<32x129xf32, #tpu.memory_space<vmem>>[vector<16xi32>, vector<16xi32>], vector<16xf32>,
        %scan3A_431 = arith.constant 3 : i32
        %scan3A_432 = arith.addi %scan3A_389, %scan3A_431 : i32
        %broadcast_in_dim3A_433 = vector.broadcast %scan3A_432 : i32 to vector<16xi32>
        %get3A_434 = arith.index_cast %scan3A_432 : i32 to index
        %get3A_435 = arith.constant 0 : index
        %get3A_436 = tpu.vector_load %arg7[%get3A_434, %get3A_435] {strides = array<i32>} : memref<128x32xf32, #tpu.memory_space<vmem>>, vector<16xf32>,
        %add3A_437 = arith.constant 0 : i32
        %add3A_438 = vector.broadcast %add3A_437 : i32 to vector<16xi32>
        %add3A_439 = arith.addi %iota3A, %add3A_438 : vector<16xi32>
        tpu.vector_store_idx %arg9[%add3A_439, %broadcast_in_dim3A_433], %get3A_436 : memref<32x129xf32, #tpu.memory_space<vmem>>[vector<16xi32>, vector<16xi32>], vector<16xf32>,
        %get3A_440 = arith.index_cast %scan3A_432 : i32 to index
        %get3A_441 = arith.constant 16 : index
        %get3A_442 = tpu.vector_load %arg7[%get3A_440, %get3A_441] {strides = array<i32>} : memref<128x32xf32, #tpu.memory_space<vmem>>, vector<16xf32>,
        %add3A_443 = arith.constant 16 : i32
        %add3A_444 = vector.broadcast %add3A_443 : i32 to vector<16xi32>
        %add3A_445 = arith.addi %iota3A, %add3A_444 : vector<16xi32>
        tpu.vector_store_idx %arg9[%add3A_445, %broadcast_in_dim3A_433], %get3A_442 : memref<32x129xf32, #tpu.memory_space<vmem>>[vector<16xi32>, vector<16xi32>], vector<16xf32>,
        %scan3A_446 = arith.constant 4 : i32
        %scan3A_447 = arith.addi %scan3A_389, %scan3A_446 : i32
        %broadcast_in_dim3A_448 = vector.broadcast %scan3A_447 : i32 to vector<16xi32>
        %get3A_449 = arith.index_cast %scan3A_447 : i32 to index
        %get3A_450 = arith.constant 0 : index
        %get3A_451 = tpu.vector_load %arg7[%get3A_449, %get3A_450] {strides = array<i32>} : memref<128x32xf32, #tpu.memory_space<vmem>>, vector<16xf32>,
        %add3A_452 = arith.constant 0 : i32
        %add3A_453 = vector.broadcast %add3A_452 : i32 to vector<16xi32>
        %add3A_454 = arith.addi %iota3A, %add3A_453 : vector<16xi32>
        tpu.vector_store_idx %arg9[%add3A_454, %broadcast_in_dim3A_448], %get3A_451 : memref<32x129xf32, #tpu.memory_space<vmem>>[vector<16xi32>, vector<16xi32>], vector<16xf32>,
        %get3A_455 = arith.index_cast %scan3A_447 : i32 to index
        %get3A_456 = arith.constant 16 : index
        %get3A_457 = tpu.vector_load %arg7[%get3A_455, %get3A_456] {strides = array<i32>} : memref<128x32xf32, #tpu.memory_space<vmem>>, vector<16xf32>,
        %add3A_458 = arith.constant 16 : i32
        %add3A_459 = vector.broadcast %add3A_458 : i32 to vector<16xi32>
        %add3A_460 = arith.addi %iota3A, %add3A_459 : vector<16xi32>
        tpu.vector_store_idx %arg9[%add3A_460, %broadcast_in_dim3A_448], %get3A_457 : memref<32x129xf32, #tpu.memory_space<vmem>>[vector<16xi32>, vector<16xi32>], vector<16xf32>,
        %scan3A_461 = arith.constant 5 : i32
        %scan3A_462 = arith.addi %scan3A_389, %scan3A_461 : i32
        %broadcast_in_dim3A_463 = vector.broadcast %scan3A_462 : i32 to vector<16xi32>
        %get3A_464 = arith.index_cast %scan3A_462 : i32 to index
        %get3A_465 = arith.constant 0 : index
        %get3A_466 = tpu.vector_load %arg7[%get3A_464, %get3A_465] {strides = array<i32>} : memref<128x32xf32, #tpu.memory_space<vmem>>, vector<16xf32>,
        %add3A_467 = arith.constant 0 : i32
        %add3A_468 = vector.broadcast %add3A_467 : i32 to vector<16xi32>
        %add3A_469 = arith.addi %iota3A, %add3A_468 : vector<16xi32>
        tpu.vector_store_idx %arg9[%add3A_469, %broadcast_in_dim3A_463], %get3A_466 : memref<32x129xf32, #tpu.memory_space<vmem>>[vector<16xi32>, vector<16xi32>], vector<16xf32>,
        %get3A_470 = arith.index_cast %scan3A_462 : i32 to index
        %get3A_471 = arith.constant 16 : index
        %get3A_472 = tpu.vector_load %arg7[%get3A_470, %get3A_471] {strides = array<i32>} : memref<128x32xf32, #tpu.memory_space<vmem>>, vector<16xf32>,
        %add3A_473 = arith.constant 16 : i32
        %add3A_474 = vector.broadcast %add3A_473 : i32 to vector<16xi32>
        %add3A_475 = arith.addi %iota3A, %add3A_474 : vector<16xi32>
        tpu.vector_store_idx %arg9[%add3A_475, %broadcast_in_dim3A_463], %get3A_472 : memref<32x129xf32, #tpu.memory_space<vmem>>[vector<16xi32>, vector<16xi32>], vector<16xf32>,
        %scan3A_476 = arith.constant 6 : i32
        %scan3A_477 = arith.addi %scan3A_389, %scan3A_476 : i32
        %broadcast_in_dim3A_478 = vector.broadcast %scan3A_477 : i32 to vector<16xi32>
        %get3A_479 = arith.index_cast %scan3A_477 : i32 to index
        %get3A_480 = arith.constant 0 : index
        %get3A_481 = tpu.vector_load %arg7[%get3A_479, %get3A_480] {strides = array<i32>} : memref<128x32xf32, #tpu.memory_space<vmem>>, vector<16xf32>,
        %add3A_482 = arith.constant 0 : i32
        %add3A_483 = vector.broadcast %add3A_482 : i32 to vector<16xi32>
        %add3A_484 = arith.addi %iota3A, %add3A_483 : vector<16xi32>
        tpu.vector_store_idx %arg9[%add3A_484, %broadcast_in_dim3A_478], %get3A_481 : memref<32x129xf32, #tpu.memory_space<vmem>>[vector<16xi32>, vector<16xi32>], vector<16xf32>,
        %get3A_485 = arith.index_cast %scan3A_477 : i32 to index
        %get3A_486 = arith.constant 16 : index
        %get3A_487 = tpu.vector_load %arg7[%get3A_485, %get3A_486] {strides = array<i32>} : memref<128x32xf32, #tpu.memory_space<vmem>>, vector<16xf32>,
        %add3A_488 = arith.constant 16 : i32
        %add3A_489 = vector.broadcast %add3A_488 : i32 to vector<16xi32>
        %add3A_490 = arith.addi %iota3A, %add3A_489 : vector<16xi32>
        tpu.vector_store_idx %arg9[%add3A_490, %broadcast_in_dim3A_478], %get3A_487 : memref<32x129xf32, #tpu.memory_space<vmem>>[vector<16xi32>, vector<16xi32>], vector<16xf32>,
        %scan3A_491 = arith.constant 7 : i32
        %scan3A_492 = arith.addi %scan3A_389, %scan3A_491 : i32
        %broadcast_in_dim3A_493 = vector.broadcast %scan3A_492 : i32 to vector<16xi32>
        %get3A_494 = arith.index_cast %scan3A_492 : i32 to index
        %get3A_495 = arith.constant 0 : index
        %get3A_496 = tpu.vector_load %arg7[%get3A_494, %get3A_495] {strides = array<i32>} : memref<128x32xf32, #tpu.memory_space<vmem>>, vector<16xf32>,
        %add3A_497 = arith.constant 0 : i32
        %add3A_498 = vector.broadcast %add3A_497 : i32 to vector<16xi32>
        %add3A_499 = arith.addi %iota3A, %add3A_498 : vector<16xi32>
        tpu.vector_store_idx %arg9[%add3A_499, %broadcast_in_dim3A_493], %get3A_496 : memref<32x129xf32, #tpu.memory_space<vmem>>[vector<16xi32>, vector<16xi32>], vector<16xf32>,
        %get3A_500 = arith.index_cast %scan3A_492 : i32 to index
        %get3A_501 = arith.constant 16 : index
        %get3A_502 = tpu.vector_load %arg7[%get3A_500, %get3A_501] {strides = array<i32>} : memref<128x32xf32, #tpu.memory_space<vmem>>, vector<16xf32>,
        %add3A_503 = arith.constant 16 : i32
        %add3A_504 = vector.broadcast %add3A_503 : i32 to vector<16xi32>
        %add3A_505 = arith.addi %iota3A, %add3A_504 : vector<16xi32>
        tpu.vector_store_idx %arg9[%add3A_505, %broadcast_in_dim3A_493], %get3A_502 : memref<32x129xf32, #tpu.memory_space<vmem>>[vector<16xi32>, vector<16xi32>], vector<16xf32>,
        %scan3A_506 = arith.constant 8 : i32
        %scan3A_507 = arith.addi %scan3A_389, %scan3A_506 : i32
        %broadcast_in_dim3A_508 = vector.broadcast %scan3A_507 : i32 to vector<16xi32>
        %get3A_509 = arith.index_cast %scan3A_507 : i32 to index
        %get3A_510 = arith.constant 0 : index
        %get3A_511 = tpu.vector_load %arg7[%get3A_509, %get3A_510] {strides = array<i32>} : memref<128x32xf32, #tpu.memory_space<vmem>>, vector<16xf32>,
        %add3A_512 = arith.constant 0 : i32
        %add3A_513 = vector.broadcast %add3A_512 : i32 to vector<16xi32>
        %add3A_514 = arith.addi %iota3A, %add3A_513 : vector<16xi32>
        tpu.vector_store_idx %arg9[%add3A_514, %broadcast_in_dim3A_508], %get3A_511 : memref<32x129xf32, #tpu.memory_space<vmem>>[vector<16xi32>, vector<16xi32>], vector<16xf32>,
        %get3A_515 = arith.index_cast %scan3A_507 : i32 to index
        %get3A_516 = arith.constant 16 : index
        %get3A_517 = tpu.vector_load %arg7[%get3A_515, %get3A_516] {strides = array<i32>} : memref<128x32xf32, #tpu.memory_space<vmem>>, vector<16xf32>,
        %add3A_518 = arith.constant 16 : i32
        %add3A_519 = vector.broadcast %add3A_518 : i32 to vector<16xi32>
        %add3A_520 = arith.addi %iota3A, %add3A_519 : vector<16xi32>
        tpu.vector_store_idx %arg9[%add3A_520, %broadcast_in_dim3A_508], %get3A_517 : memref<32x129xf32, #tpu.memory_space<vmem>>[vector<16xi32>, vector<16xi32>], vector<16xf32>,
        %scan3A_521 = arith.constant 9 : i32
        %scan3A_522 = arith.addi %scan3A_389, %scan3A_521 : i32
        %broadcast_in_dim3A_523 = vector.broadcast %scan3A_522 : i32 to vector<16xi32>
        %get3A_524 = arith.index_cast %scan3A_522 : i32 to index
        %get3A_525 = arith.constant 0 : index
        %get3A_526 = tpu.vector_load %arg7[%get3A_524, %get3A_525] {strides = array<i32>} : memref<128x32xf32, #tpu.memory_space<vmem>>, vector<16xf32>,
        %add3A_527 = arith.constant 0 : i32
        %add3A_528 = vector.broadcast %add3A_527 : i32 to vector<16xi32>
        %add3A_529 = arith.addi %iota3A, %add3A_528 : vector<16xi32>
        tpu.vector_store_idx %arg9[%add3A_529, %broadcast_in_dim3A_523], %get3A_526 : memref<32x129xf32, #tpu.memory_space<vmem>>[vector<16xi32>, vector<16xi32>], vector<16xf32>,
        %get3A_530 = arith.index_cast %scan3A_522 : i32 to index
        %get3A_531 = arith.constant 16 : index
        %get3A_532 = tpu.vector_load %arg7[%get3A_530, %get3A_531] {strides = array<i32>} : memref<128x32xf32, #tpu.memory_space<vmem>>, vector<16xf32>,
        %add3A_533 = arith.constant 16 : i32
        %add3A_534 = vector.broadcast %add3A_533 : i32 to vector<16xi32>
        %add3A_535 = arith.addi %iota3A, %add3A_534 : vector<16xi32>
        tpu.vector_store_idx %arg9[%add3A_535, %broadcast_in_dim3A_523], %get3A_532 : memref<32x129xf32, #tpu.memory_space<vmem>>[vector<16xi32>, vector<16xi32>], vector<16xf32>,
        %scan3A_536 = arith.constant 10 : i32
        %scan3A_537 = arith.addi %scan3A_389, %scan3A_536 : i32
        %broadcast_in_dim3A_538 = vector.broadcast %scan3A_537 : i32 to vector<16xi32>
        %get3A_539 = arith.index_cast %scan3A_537 : i32 to index
        %get3A_540 = arith.constant 0 : index
        %get3A_541 = tpu.vector_load %arg7[%get3A_539, %get3A_540] {strides = array<i32>} : memref<128x32xf32, #tpu.memory_space<vmem>>, vector<16xf32>,
        %add3A_542 = arith.constant 0 : i32
        %add3A_543 = vector.broadcast %add3A_542 : i32 to vector<16xi32>
        %add3A_544 = arith.addi %iota3A, %add3A_543 : vector<16xi32>
        tpu.vector_store_idx %arg9[%add3A_544, %broadcast_in_dim3A_538], %get3A_541 : memref<32x129xf32, #tpu.memory_space<vmem>>[vector<16xi32>, vector<16xi32>], vector<16xf32>,
        %get3A_545 = arith.index_cast %scan3A_537 : i32 to index
        %get3A_546 = arith.constant 16 : index
        %get3A_547 = tpu.vector_load %arg7[%get3A_545, %get3A_546] {strides = array<i32>} : memref<128x32xf32, #tpu.memory_space<vmem>>, vector<16xf32>,
        %add3A_548 = arith.constant 16 : i32
        %add3A_549 = vector.broadcast %add3A_548 : i32 to vector<16xi32>
        %add3A_550 = arith.addi %iota3A, %add3A_549 : vector<16xi32>
        tpu.vector_store_idx %arg9[%add3A_550, %broadcast_in_dim3A_538], %get3A_547 : memref<32x129xf32, #tpu.memory_space<vmem>>[vector<16xi32>, vector<16xi32>], vector<16xf32>,
        %scan3A_551 = arith.constant 11 : i32
        %scan3A_552 = arith.addi %scan3A_389, %scan3A_551 : i32
        %broadcast_in_dim3A_553 = vector.broadcast %scan3A_552 : i32 to vector<16xi32>
        %get3A_554 = arith.index_cast %scan3A_552 : i32 to index
        %get3A_555 = arith.constant 0 : index
        %get3A_556 = tpu.vector_load %arg7[%get3A_554, %get3A_555] {strides = array<i32>} : memref<128x32xf32, #tpu.memory_space<vmem>>, vector<16xf32>,
        %add3A_557 = arith.constant 0 : i32
        %add3A_558 = vector.broadcast %add3A_557 : i32 to vector<16xi32>
        %add3A_559 = arith.addi %iota3A, %add3A_558 : vector<16xi32>
        tpu.vector_store_idx %arg9[%add3A_559, %broadcast_in_dim3A_553], %get3A_556 : memref<32x129xf32, #tpu.memory_space<vmem>>[vector<16xi32>, vector<16xi32>], vector<16xf32>,
        %get3A_560 = arith.index_cast %scan3A_552 : i32 to index
        %get3A_561 = arith.constant 16 : index
        %get3A_562 = tpu.vector_load %arg7[%get3A_560, %get3A_561] {strides = array<i32>} : memref<128x32xf32, #tpu.memory_space<vmem>>, vector<16xf32>,
        %add3A_563 = arith.constant 16 : i32
        %add3A_564 = vector.broadcast %add3A_563 : i32 to vector<16xi32>
        %add3A_565 = arith.addi %iota3A, %add3A_564 : vector<16xi32>
        tpu.vector_store_idx %arg9[%add3A_565, %broadcast_in_dim3A_553], %get3A_562 : memref<32x129xf32, #tpu.memory_space<vmem>>[vector<16xi32>, vector<16xi32>], vector<16xf32>,
        %scan3A_566 = arith.constant 12 : i32
        %scan3A_567 = arith.addi %scan3A_389, %scan3A_566 : i32
        %broadcast_in_dim3A_568 = vector.broadcast %scan3A_567 : i32 to vector<16xi32>
        %get3A_569 = arith.index_cast %scan3A_567 : i32 to index
        %get3A_570 = arith.constant 0 : index
        %get3A_571 = tpu.vector_load %arg7[%get3A_569, %get3A_570] {strides = array<i32>} : memref<128x32xf32, #tpu.memory_space<vmem>>, vector<16xf32>,
        %add3A_572 = arith.constant 0 : i32
        %add3A_573 = vector.broadcast %add3A_572 : i32 to vector<16xi32>
        %add3A_574 = arith.addi %iota3A, %add3A_573 : vector<16xi32>
        tpu.vector_store_idx %arg9[%add3A_574, %broadcast_in_dim3A_568], %get3A_571 : memref<32x129xf32, #tpu.memory_space<vmem>>[vector<16xi32>, vector<16xi32>], vector<16xf32>,
        %get3A_575 = arith.index_cast %scan3A_567 : i32 to index
        %get3A_576 = arith.constant 16 : index
        %get3A_577 = tpu.vector_load %arg7[%get3A_575, %get3A_576] {strides = array<i32>} : memref<128x32xf32, #tpu.memory_space<vmem>>, vector<16xf32>,
        %add3A_578 = arith.constant 16 : i32
        %add3A_579 = vector.broadcast %add3A_578 : i32 to vector<16xi32>
        %add3A_580 = arith.addi %iota3A, %add3A_579 : vector<16xi32>
        tpu.vector_store_idx %arg9[%add3A_580, %broadcast_in_dim3A_568], %get3A_577 : memref<32x129xf32, #tpu.memory_space<vmem>>[vector<16xi32>, vector<16xi32>], vector<16xf32>,
        %scan3A_581 = arith.constant 13 : i32
        %scan3A_582 = arith.addi %scan3A_389, %scan3A_581 : i32
        %broadcast_in_dim3A_583 = vector.broadcast %scan3A_582 : i32 to vector<16xi32>
        %get3A_584 = arith.index_cast %scan3A_582 : i32 to index
        %get3A_585 = arith.constant 0 : index
        %get3A_586 = tpu.vector_load %arg7[%get3A_584, %get3A_585] {strides = array<i32>} : memref<128x32xf32, #tpu.memory_space<vmem>>, vector<16xf32>,
        %add3A_587 = arith.constant 0 : i32
        %add3A_588 = vector.broadcast %add3A_587 : i32 to vector<16xi32>
        %add3A_589 = arith.addi %iota3A, %add3A_588 : vector<16xi32>
        tpu.vector_store_idx %arg9[%add3A_589, %broadcast_in_dim3A_583], %get3A_586 : memref<32x129xf32, #tpu.memory_space<vmem>>[vector<16xi32>, vector<16xi32>], vector<16xf32>,
        %get3A_590 = arith.index_cast %scan3A_582 : i32 to index
        %get3A_591 = arith.constant 16 : index
        %get3A_592 = tpu.vector_load %arg7[%get3A_590, %get3A_591] {strides = array<i32>} : memref<128x32xf32, #tpu.memory_space<vmem>>, vector<16xf32>,
        %add3A_593 = arith.constant 16 : i32
        %add3A_594 = vector.broadcast %add3A_593 : i32 to vector<16xi32>
        %add3A_595 = arith.addi %iota3A, %add3A_594 : vector<16xi32>
        tpu.vector_store_idx %arg9[%add3A_595, %broadcast_in_dim3A_583], %get3A_592 : memref<32x129xf32, #tpu.memory_space<vmem>>[vector<16xi32>, vector<16xi32>], vector<16xf32>,
        %scan3A_596 = arith.constant 14 : i32
        %scan3A_597 = arith.addi %scan3A_389, %scan3A_596 : i32
        %broadcast_in_dim3A_598 = vector.broadcast %scan3A_597 : i32 to vector<16xi32>
        %get3A_599 = arith.index_cast %scan3A_597 : i32 to index
        %get3A_600 = arith.constant 0 : index
        %get3A_601 = tpu.vector_load %arg7[%get3A_599, %get3A_600] {strides = array<i32>} : memref<128x32xf32, #tpu.memory_space<vmem>>, vector<16xf32>,
        %add3A_602 = arith.constant 0 : i32
        %add3A_603 = vector.broadcast %add3A_602 : i32 to vector<16xi32>
        %add3A_604 = arith.addi %iota3A, %add3A_603 : vector<16xi32>
        tpu.vector_store_idx %arg9[%add3A_604, %broadcast_in_dim3A_598], %get3A_601 : memref<32x129xf32, #tpu.memory_space<vmem>>[vector<16xi32>, vector<16xi32>], vector<16xf32>,
        %get3A_605 = arith.index_cast %scan3A_597 : i32 to index
        %get3A_606 = arith.constant 16 : index
        %get3A_607 = tpu.vector_load %arg7[%get3A_605, %get3A_606] {strides = array<i32>} : memref<128x32xf32, #tpu.memory_space<vmem>>, vector<16xf32>,
        %add3A_608 = arith.constant 16 : i32
        %add3A_609 = vector.broadcast %add3A_608 : i32 to vector<16xi32>
        %add3A_610 = arith.addi %iota3A, %add3A_609 : vector<16xi32>
        tpu.vector_store_idx %arg9[%add3A_610, %broadcast_in_dim3A_598], %get3A_607 : memref<32x129xf32, #tpu.memory_space<vmem>>[vector<16xi32>, vector<16xi32>], vector<16xf32>,
        %scan3A_611 = arith.constant 15 : i32
        %scan3A_612 = arith.addi %scan3A_389, %scan3A_611 : i32
        %broadcast_in_dim3A_613 = vector.broadcast %scan3A_612 : i32 to vector<16xi32>
        %get3A_614 = arith.index_cast %scan3A_612 : i32 to index
        %get3A_615 = arith.constant 0 : index
        %get3A_616 = tpu.vector_load %arg7[%get3A_614, %get3A_615] {strides = array<i32>} : memref<128x32xf32, #tpu.memory_space<vmem>>, vector<16xf32>,
        %add3A_617 = arith.constant 0 : i32
        %add3A_618 = vector.broadcast %add3A_617 : i32 to vector<16xi32>
        %add3A_619 = arith.addi %iota3A, %add3A_618 : vector<16xi32>
        tpu.vector_store_idx %arg9[%add3A_619, %broadcast_in_dim3A_613], %get3A_616 : memref<32x129xf32, #tpu.memory_space<vmem>>[vector<16xi32>, vector<16xi32>], vector<16xf32>,
        %get3A_620 = arith.index_cast %scan3A_612 : i32 to index
        %get3A_621 = arith.constant 16 : index
        %get3A_622 = tpu.vector_load %arg7[%get3A_620, %get3A_621] {strides = array<i32>} : memref<128x32xf32, #tpu.memory_space<vmem>>, vector<16xf32>,
        %add3A_623 = arith.constant 16 : i32
        %add3A_624 = vector.broadcast %add3A_623 : i32 to vector<16xi32>
        %add3A_625 = arith.addi %iota3A, %add3A_624 : vector<16xi32>
        tpu.vector_store_idx %arg9[%add3A_625, %broadcast_in_dim3A_613], %get3A_622 : memref<32x129xf32, #tpu.memory_space<vmem>>[vector<16xi32>, vector<16xi32>], vector<16xf32>,
      }
      %scan3A_326 = arith.constant 128 : i32
      %add3A_327 = arith.constant 1 : i32
      %add3A_328 = arith.addi %mul3A_148, %add3A_327 : i32
      %dma_start3A_329 = arith.constant 0 : i32
      %dma_start3A_330 = arith.constant 0 : i32
      %dma_start3A_331 = arith.constant 0 : i32
      %dma_start3A_332 = tpu.memref_slice %arg9[%dma_start3A_330, %dma_start3A_331] : memref<32x129xf32, #tpu.memory_space<vmem>> -> memref<8x128xf32, #tpu.memory_space<vmem>>
      %dma_start3A_333 = arith.constant 0 : i32
      %dma_start3A_334 = arith.constant 0 : i32
      %dma_start3A_335 = tpu.memref_slice %arg4[%add3A_328, %dma_start3A_329, %add3A, %dma_start3A_333, %dma_start3A_334] : memref<200x4x32x8x128xf32, #tpu.memory_space<hbm>> -> memref<1x1x1x8x128xf32, #tpu.memory_space<hbm>>
      %dma_start3A_336 = tpu.memref_squeeze %dma_start3A_335 : memref<1x1x1x8x128xf32, #tpu.memory_space<hbm>> -> memref<8x128xf32, #tpu.memory_space<hbm>>
      %dma_start3A_337 = arith.constant 0 : i32
      %dma_start3A_338 = arith.constant 0 : i32
      %dma_start3A_339 = tpu.memref_slice %arg4[%add3A_328, %dma_start3A_329, %add3A, %dma_start3A_337, %dma_start3A_338] : memref<200x4x32x8x128xf32, #tpu.memory_space<hbm>> -> memref<1x1x1x8x128xf32, #tpu.memory_space<hbm>>
      %dma_start3A_340 = tpu.memref_squeeze %dma_start3A_339 : memref<1x1x1x8x128xf32, #tpu.memory_space<hbm>> -> memref<8x128xf32, #tpu.memory_space<hbm>>
      %dma_start3A_341 = arith.constant 0 : i32
      %dma_start3A_342 = arith.constant 0 : i32
      %dma_start3A_343 = tpu.memref_slice %arg9[%dma_start3A_341, %dma_start3A_342] : memref<32x129xf32, #tpu.memory_space<vmem>> -> memref<8x128xf32, #tpu.memory_space<vmem>>
      tpu.enqueue_dma source(%dma_start3A_343 : memref<8x128xf32, #tpu.memory_space<vmem>>) target(%dma_start3A_340 : memref<8x128xf32, #tpu.memory_space<hbm>>) target_semaphore(%arg13 : memref<!tpu.dma_semaphore, #tpu.memory_space<semaphore_mem>>)
      %dma_start3A_344 = arith.constant 1 : i32
      %dma_start3A_345 = arith.constant 8 : i32
      %dma_start3A_346 = arith.constant 0 : i32
      %dma_start3A_347 = tpu.memref_slice %arg9[%dma_start3A_345, %dma_start3A_346] : memref<32x129xf32, #tpu.memory_space<vmem>> -> memref<8x128xf32, #tpu.memory_space<vmem>>
      %dma_start3A_348 = arith.constant 0 : i32
      %dma_start3A_349 = arith.constant 0 : i32
      %dma_start3A_350 = tpu.memref_slice %arg4[%add3A_328, %dma_start3A_344, %add3A, %dma_start3A_348, %dma_start3A_349] : memref<200x4x32x8x128xf32, #tpu.memory_space<hbm>> -> memref<1x1x1x8x128xf32, #tpu.memory_space<hbm>>
      %dma_start3A_351 = tpu.memref_squeeze %dma_start3A_350 : memref<1x1x1x8x128xf32, #tpu.memory_space<hbm>> -> memref<8x128xf32, #tpu.memory_space<hbm>>
      %dma_start3A_352 = arith.constant 0 : i32
      %dma_start3A_353 = arith.constant 0 : i32
      %dma_start3A_354 = tpu.memref_slice %arg4[%add3A_328, %dma_start3A_344, %add3A, %dma_start3A_352, %dma_start3A_353] : memref<200x4x32x8x128xf32, #tpu.memory_space<hbm>> -> memref<1x1x1x8x128xf32, #tpu.memory_space<hbm>>
      %dma_start3A_355 = tpu.memref_squeeze %dma_start3A_354 : memref<1x1x1x8x128xf32, #tpu.memory_space<hbm>> -> memref<8x128xf32, #tpu.memory_space<hbm>>
      %dma_start3A_356 = arith.constant 8 : i32
      %dma_start3A_357 = arith.constant 0 : i32
      %dma_start3A_358 = tpu.memref_slice %arg9[%dma_start3A_356, %dma_start3A_357] : memref<32x129xf32, #tpu.memory_space<vmem>> -> memref<8x128xf32, #tpu.memory_space<vmem>>
      tpu.enqueue_dma source(%dma_start3A_358 : memref<8x128xf32, #tpu.memory_space<vmem>>) target(%dma_start3A_355 : memref<8x128xf32, #tpu.memory_space<hbm>>) target_semaphore(%arg13 : memref<!tpu.dma_semaphore, #tpu.memory_space<semaphore_mem>>)
      %dma_start3A_359 = arith.constant 2 : i32
      %dma_start3A_360 = arith.constant 16 : i32
      %dma_start3A_361 = arith.constant 0 : i32
      %dma_start3A_362 = tpu.memref_slice %arg9[%dma_start3A_360, %dma_start3A_361] : memref<32x129xf32, #tpu.memory_space<vmem>> -> memref<8x128xf32, #tpu.memory_space<vmem>>
      %dma_start3A_363 = arith.constant 0 : i32
      %dma_start3A_364 = arith.constant 0 : i32
      %dma_start3A_365 = tpu.memref_slice %arg4[%add3A_328, %dma_start3A_359, %add3A, %dma_start3A_363, %dma_start3A_364] : memref<200x4x32x8x128xf32, #tpu.memory_space<hbm>> -> memref<1x1x1x8x128xf32, #tpu.memory_space<hbm>>
      %dma_start3A_366 = tpu.memref_squeeze %dma_start3A_365 : memref<1x1x1x8x128xf32, #tpu.memory_space<hbm>> -> memref<8x128xf32, #tpu.memory_space<hbm>>
      %dma_start3A_367 = arith.constant 0 : i32
      %dma_start3A_368 = arith.constant 0 : i32
      %dma_start3A_369 = tpu.memref_slice %arg4[%add3A_328, %dma_start3A_359, %add3A, %dma_start3A_367, %dma_start3A_368] : memref<200x4x32x8x128xf32, #tpu.memory_space<hbm>> -> memref<1x1x1x8x128xf32, #tpu.memory_space<hbm>>
      %dma_start3A_370 = tpu.memref_squeeze %dma_start3A_369 : memref<1x1x1x8x128xf32, #tpu.memory_space<hbm>> -> memref<8x128xf32, #tpu.memory_space<hbm>>
      %dma_start3A_371 = arith.constant 16 : i32
      %dma_start3A_372 = arith.constant 0 : i32
      %dma_start3A_373 = tpu.memref_slice %arg9[%dma_start3A_371, %dma_start3A_372] : memref<32x129xf32, #tpu.memory_space<vmem>> -> memref<8x128xf32, #tpu.memory_space<vmem>>
      tpu.enqueue_dma source(%dma_start3A_373 : memref<8x128xf32, #tpu.memory_space<vmem>>) target(%dma_start3A_370 : memref<8x128xf32, #tpu.memory_space<hbm>>) target_semaphore(%arg13 : memref<!tpu.dma_semaphore, #tpu.memory_space<semaphore_mem>>)
      %dma_start3A_374 = arith.constant 3 : i32
      %dma_start3A_375 = arith.constant 24 : i32
      %dma_start3A_376 = arith.constant 0 : i32
      %dma_start3A_377 = tpu.memref_slice %arg9[%dma_start3A_375, %dma_start3A_376] : memref<32x129xf32, #tpu.memory_space<vmem>> -> memref<8x128xf32, #tpu.memory_space<vmem>>
      %dma_start3A_378 = arith.constant 0 : i32
      %dma_start3A_379 = arith.constant 0 : i32
      %dma_start3A_380 = tpu.memref_slice %arg4[%add3A_328, %dma_start3A_374, %add3A, %dma_start3A_378, %dma_start3A_379] : memref<200x4x32x8x128xf32, #tpu.memory_space<hbm>> -> memref<1x1x1x8x128xf32, #tpu.memory_space<hbm>>
      %dma_start3A_381 = tpu.memref_squeeze %dma_start3A_380 : memref<1x1x1x8x128xf32, #tpu.memory_space<hbm>> -> memref<8x128xf32, #tpu.memory_space<hbm>>
      %dma_start3A_382 = arith.constant 0 : i32
      %dma_start3A_383 = arith.constant 0 : i32
      %dma_start3A_384 = tpu.memref_slice %arg4[%add3A_328, %dma_start3A_374, %add3A, %dma_start3A_382, %dma_start3A_383] : memref<200x4x32x8x128xf32, #tpu.memory_space<hbm>> -> memref<1x1x1x8x128xf32, #tpu.memory_space<hbm>>
      %dma_start3A_385 = tpu.memref_squeeze %dma_start3A_384 : memref<1x1x1x8x128xf32, #tpu.memory_space<hbm>> -> memref<8x128xf32, #tpu.memory_space<hbm>>
      %dma_start3A_386 = arith.constant 24 : i32
      %dma_start3A_387 = arith.constant 0 : i32
      %dma_start3A_388 = tpu.memref_slice %arg9[%dma_start3A_386, %dma_start3A_387] : memref<32x129xf32, #tpu.memory_space<vmem>> -> memref<8x128xf32, #tpu.memory_space<vmem>>
      tpu.enqueue_dma source(%dma_start3A_388 : memref<8x128xf32, #tpu.memory_space<vmem>>) target(%dma_start3A_385 : memref<8x128xf32, #tpu.memory_space<hbm>>) target_semaphore(%arg13 : memref<!tpu.dma_semaphore, #tpu.memory_space<semaphore_mem>>)
    }
    %scan3A_12 = arith.constant 100 : i32
    %dma_wait3A = arith.constant 0 : i32
    %dma_wait3A_13 = arith.constant 0 : i32
    %dma_wait3A_14 = arith.constant 0 : i32
    %dma_wait3A_15 = arith.constant 0 : i32
    %dma_wait3A_16 = tpu.memref_slice %arg8[%dma_wait3A_14, %dma_wait3A_15] : memref<32x129xf32, #tpu.memory_space<vmem>> -> memref<8x128xf32, #tpu.memory_space<vmem>>
    %dma_wait3A_17 = arith.constant 0 : i32
    %dma_wait3A_18 = arith.constant 0 : i32
    %dma_wait3A_19 = tpu.memref_slice %arg4[%dma_wait3A, %dma_wait3A_13, %add3A, %dma_wait3A_17, %dma_wait3A_18] : memref<200x4x32x8x128xf32, #tpu.memory_space<hbm>> -> memref<1x1x1x8x128xf32, #tpu.memory_space<hbm>>
    %dma_wait3A_20 = tpu.memref_squeeze %dma_wait3A_19 : memref<1x1x1x8x128xf32, #tpu.memory_space<hbm>> -> memref<8x128xf32, #tpu.memory_space<hbm>>
    %dma_wait3A_21 = arith.constant 0 : i32
    %dma_wait3A_22 = arith.constant 0 : i32
    %dma_wait3A_23 = tpu.memref_slice %arg4[%dma_wait3A, %dma_wait3A_13, %add3A, %dma_wait3A_21, %dma_wait3A_22] : memref<200x4x32x8x128xf32, #tpu.memory_space<hbm>> -> memref<1x1x1x8x128xf32, #tpu.memory_space<hbm>>
    %dma_wait3A_24 = tpu.memref_squeeze %dma_wait3A_23 : memref<1x1x1x8x128xf32, #tpu.memory_space<hbm>> -> memref<8x128xf32, #tpu.memory_space<hbm>>
    %dma_wait3A_25 = arith.constant 0 : i32
    %dma_wait3A_26 = arith.constant 0 : i32
    %dma_wait3A_27 = tpu.memref_slice %arg8[%dma_wait3A_25, %dma_wait3A_26] : memref<32x129xf32, #tpu.memory_space<vmem>> -> memref<8x128xf32, #tpu.memory_space<vmem>>
    tpu.wait_dma2 semaphore(%arg12 : memref<!tpu.dma_semaphore, #tpu.memory_space<semaphore_mem>>) src(%dma_wait3A_27 : memref<8x128xf32, #tpu.memory_space<vmem>>) dst(%dma_wait3A_24 : memref<8x128xf32, #tpu.memory_space<hbm>>)
    %dma_wait3A_28 = arith.constant 0 : i32
    %dma_wait3A_29 = arith.constant 1 : i32
    %dma_wait3A_30 = arith.constant 8 : i32
    %dma_wait3A_31 = arith.constant 0 : i32
    %dma_wait3A_32 = tpu.memref_slice %arg8[%dma_wait3A_30, %dma_wait3A_31] : memref<32x129xf32, #tpu.memory_space<vmem>> -> memref<8x128xf32, #tpu.memory_space<vmem>>
    %dma_wait3A_33 = arith.constant 0 : i32
    %dma_wait3A_34 = arith.constant 0 : i32
    %dma_wait3A_35 = tpu.memref_slice %arg4[%dma_wait3A_28, %dma_wait3A_29, %add3A, %dma_wait3A_33, %dma_wait3A_34] : memref<200x4x32x8x128xf32, #tpu.memory_space<hbm>> -> memref<1x1x1x8x128xf32, #tpu.memory_space<hbm>>
    %dma_wait3A_36 = tpu.memref_squeeze %dma_wait3A_35 : memref<1x1x1x8x128xf32, #tpu.memory_space<hbm>> -> memref<8x128xf32, #tpu.memory_space<hbm>>
    %dma_wait3A_37 = arith.constant 0 : i32
    %dma_wait3A_38 = arith.constant 0 : i32
    %dma_wait3A_39 = tpu.memref_slice %arg4[%dma_wait3A_28, %dma_wait3A_29, %add3A, %dma_wait3A_37, %dma_wait3A_38] : memref<200x4x32x8x128xf32, #tpu.memory_space<hbm>> -> memref<1x1x1x8x128xf32, #tpu.memory_space<hbm>>
    %dma_wait3A_40 = tpu.memref_squeeze %dma_wait3A_39 : memref<1x1x1x8x128xf32, #tpu.memory_space<hbm>> -> memref<8x128xf32, #tpu.memory_space<hbm>>
    %dma_wait3A_41 = arith.constant 8 : i32
    %dma_wait3A_42 = arith.constant 0 : i32
    %dma_wait3A_43 = tpu.memref_slice %arg8[%dma_wait3A_41, %dma_wait3A_42] : memref<32x129xf32, #tpu.memory_space<vmem>> -> memref<8x128xf32, #tpu.memory_space<vmem>>
    tpu.wait_dma2 semaphore(%arg12 : memref<!tpu.dma_semaphore, #tpu.memory_space<semaphore_mem>>) src(%dma_wait3A_43 : memref<8x128xf32, #tpu.memory_space<vmem>>) dst(%dma_wait3A_40 : memref<8x128xf32, #tpu.memory_space<hbm>>)
    %dma_wait3A_44 = arith.constant 0 : i32
    %dma_wait3A_45 = arith.constant 2 : i32
    %dma_wait3A_46 = arith.constant 16 : i32
    %dma_wait3A_47 = arith.constant 0 : i32
    %dma_wait3A_48 = tpu.memref_slice %arg8[%dma_wait3A_46, %dma_wait3A_47] : memref<32x129xf32, #tpu.memory_space<vmem>> -> memref<8x128xf32, #tpu.memory_space<vmem>>
    %dma_wait3A_49 = arith.constant 0 : i32
    %dma_wait3A_50 = arith.constant 0 : i32
    %dma_wait3A_51 = tpu.memref_slice %arg4[%dma_wait3A_44, %dma_wait3A_45, %add3A, %dma_wait3A_49, %dma_wait3A_50] : memref<200x4x32x8x128xf32, #tpu.memory_space<hbm>> -> memref<1x1x1x8x128xf32, #tpu.memory_space<hbm>>
    %dma_wait3A_52 = tpu.memref_squeeze %dma_wait3A_51 : memref<1x1x1x8x128xf32, #tpu.memory_space<hbm>> -> memref<8x128xf32, #tpu.memory_space<hbm>>
    %dma_wait3A_53 = arith.constant 0 : i32
    %dma_wait3A_54 = arith.constant 0 : i32
    %dma_wait3A_55 = tpu.memref_slice %arg4[%dma_wait3A_44, %dma_wait3A_45, %add3A, %dma_wait3A_53, %dma_wait3A_54] : memref<200x4x32x8x128xf32, #tpu.memory_space<hbm>> -> memref<1x1x1x8x128xf32, #tpu.memory_space<hbm>>
    %dma_wait3A_56 = tpu.memref_squeeze %dma_wait3A_55 : memref<1x1x1x8x128xf32, #tpu.memory_space<hbm>> -> memref<8x128xf32, #tpu.memory_space<hbm>>
    %dma_wait3A_57 = arith.constant 16 : i32
    %dma_wait3A_58 = arith.constant 0 : i32
    %dma_wait3A_59 = tpu.memref_slice %arg8[%dma_wait3A_57, %dma_wait3A_58] : memref<32x129xf32, #tpu.memory_space<vmem>> -> memref<8x128xf32, #tpu.memory_space<vmem>>
    tpu.wait_dma2 semaphore(%arg12 : memref<!tpu.dma_semaphore, #tpu.memory_space<semaphore_mem>>) src(%dma_wait3A_59 : memref<8x128xf32, #tpu.memory_space<vmem>>) dst(%dma_wait3A_56 : memref<8x128xf32, #tpu.memory_space<hbm>>)
    %dma_wait3A_60 = arith.constant 0 : i32
    %dma_wait3A_61 = arith.constant 3 : i32
    %dma_wait3A_62 = arith.constant 24 : i32
    %dma_wait3A_63 = arith.constant 0 : i32
    %dma_wait3A_64 = tpu.memref_slice %arg8[%dma_wait3A_62, %dma_wait3A_63] : memref<32x129xf32, #tpu.memory_space<vmem>> -> memref<8x128xf32, #tpu.memory_space<vmem>>
    %dma_wait3A_65 = arith.constant 0 : i32
    %dma_wait3A_66 = arith.constant 0 : i32
    %dma_wait3A_67 = tpu.memref_slice %arg4[%dma_wait3A_60, %dma_wait3A_61, %add3A, %dma_wait3A_65, %dma_wait3A_66] : memref<200x4x32x8x128xf32, #tpu.memory_space<hbm>> -> memref<1x1x1x8x128xf32, #tpu.memory_space<hbm>>
    %dma_wait3A_68 = tpu.memref_squeeze %dma_wait3A_67 : memref<1x1x1x8x128xf32, #tpu.memory_space<hbm>> -> memref<8x128xf32, #tpu.memory_space<hbm>>
    %dma_wait3A_69 = arith.constant 0 : i32
    %dma_wait3A_70 = arith.constant 0 : i32
    %dma_wait3A_71 = tpu.memref_slice %arg4[%dma_wait3A_60, %dma_wait3A_61, %add3A, %dma_wait3A_69, %dma_wait3A_70] : memref<200x4x32x8x128xf32, #tpu.memory_space<hbm>> -> memref<1x1x1x8x128xf32, #tpu.memory_space<hbm>>
    %dma_wait3A_72 = tpu.memref_squeeze %dma_wait3A_71 : memref<1x1x1x8x128xf32, #tpu.memory_space<hbm>> -> memref<8x128xf32, #tpu.memory_space<hbm>>
    %dma_wait3A_73 = arith.constant 24 : i32
    %dma_wait3A_74 = arith.constant 0 : i32
    %dma_wait3A_75 = tpu.memref_slice %arg8[%dma_wait3A_73, %dma_wait3A_74] : memref<32x129xf32, #tpu.memory_space<vmem>> -> memref<8x128xf32, #tpu.memory_space<vmem>>
    tpu.wait_dma2 semaphore(%arg12 : memref<!tpu.dma_semaphore, #tpu.memory_space<semaphore_mem>>) src(%dma_wait3A_75 : memref<8x128xf32, #tpu.memory_space<vmem>>) dst(%dma_wait3A_72 : memref<8x128xf32, #tpu.memory_space<hbm>>)
    %dma_wait3A_76 = arith.constant 0 : i32
    %dma_wait3A_77 = arith.constant 0 : i32
    %dma_wait3A_78 = arith.constant 0 : i32
    %dma_wait3A_79 = arith.constant 0 : i32
    %dma_wait3A_80 = tpu.memref_slice %arg9[%dma_wait3A_78, %dma_wait3A_79] : memref<32x129xf32, #tpu.memory_space<vmem>> -> memref<8x128xf32, #tpu.memory_space<vmem>>
    %dma_wait3A_81 = arith.constant 0 : i32
    %dma_wait3A_82 = arith.constant 0 : i32
    %dma_wait3A_83 = tpu.memref_slice %arg4[%dma_wait3A_76, %dma_wait3A_77, %add3A, %dma_wait3A_81, %dma_wait3A_82] : memref<200x4x32x8x128xf32, #tpu.memory_space<hbm>> -> memref<1x1x1x8x128xf32, #tpu.memory_space<hbm>>
    %dma_wait3A_84 = tpu.memref_squeeze %dma_wait3A_83 : memref<1x1x1x8x128xf32, #tpu.memory_space<hbm>> -> memref<8x128xf32, #tpu.memory_space<hbm>>
    %dma_wait3A_85 = arith.constant 0 : i32
    %dma_wait3A_86 = arith.constant 0 : i32
    %dma_wait3A_87 = tpu.memref_slice %arg4[%dma_wait3A_76, %dma_wait3A_77, %add3A, %dma_wait3A_85, %dma_wait3A_86] : memref<200x4x32x8x128xf32, #tpu.memory_space<hbm>> -> memref<1x1x1x8x128xf32, #tpu.memory_space<hbm>>
    %dma_wait3A_88 = tpu.memref_squeeze %dma_wait3A_87 : memref<1x1x1x8x128xf32, #tpu.memory_space<hbm>> -> memref<8x128xf32, #tpu.memory_space<hbm>>
    %dma_wait3A_89 = arith.constant 0 : i32
    %dma_wait3A_90 = arith.constant 0 : i32
    %dma_wait3A_91 = tpu.memref_slice %arg9[%dma_wait3A_89, %dma_wait3A_90] : memref<32x129xf32, #tpu.memory_space<vmem>> -> memref<8x128xf32, #tpu.memory_space<vmem>>
    tpu.wait_dma2 semaphore(%arg13 : memref<!tpu.dma_semaphore, #tpu.memory_space<semaphore_mem>>) src(%dma_wait3A_91 : memref<8x128xf32, #tpu.memory_space<vmem>>) dst(%dma_wait3A_88 : memref<8x128xf32, #tpu.memory_space<hbm>>)
    %dma_wait3A_92 = arith.constant 0 : i32
    %dma_wait3A_93 = arith.constant 1 : i32
    %dma_wait3A_94 = arith.constant 8 : i32
    %dma_wait3A_95 = arith.constant 0 : i32
    %dma_wait3A_96 = tpu.memref_slice %arg9[%dma_wait3A_94, %dma_wait3A_95] : memref<32x129xf32, #tpu.memory_space<vmem>> -> memref<8x128xf32, #tpu.memory_space<vmem>>
    %dma_wait3A_97 = arith.constant 0 : i32
    %dma_wait3A_98 = arith.constant 0 : i32
    %dma_wait3A_99 = tpu.memref_slice %arg4[%dma_wait3A_92, %dma_wait3A_93, %add3A, %dma_wait3A_97, %dma_wait3A_98] : memref<200x4x32x8x128xf32, #tpu.memory_space<hbm>> -> memref<1x1x1x8x128xf32, #tpu.memory_space<hbm>>
    %dma_wait3A_100 = tpu.memref_squeeze %dma_wait3A_99 : memref<1x1x1x8x128xf32, #tpu.memory_space<hbm>> -> memref<8x128xf32, #tpu.memory_space<hbm>>
    %dma_wait3A_101 = arith.constant 0 : i32
    %dma_wait3A_102 = arith.constant 0 : i32
    %dma_wait3A_103 = tpu.memref_slice %arg4[%dma_wait3A_92, %dma_wait3A_93, %add3A, %dma_wait3A_101, %dma_wait3A_102] : memref<200x4x32x8x128xf32, #tpu.memory_space<hbm>> -> memref<1x1x1x8x128xf32, #tpu.memory_space<hbm>>
    %dma_wait3A_104 = tpu.memref_squeeze %dma_wait3A_103 : memref<1x1x1x8x128xf32, #tpu.memory_space<hbm>> -> memref<8x128xf32, #tpu.memory_space<hbm>>
    %dma_wait3A_105 = arith.constant 8 : i32
    %dma_wait3A_106 = arith.constant 0 : i32
    %dma_wait3A_107 = tpu.memref_slice %arg9[%dma_wait3A_105, %dma_wait3A_106] : memref<32x129xf32, #tpu.memory_space<vmem>> -> memref<8x128xf32, #tpu.memory_space<vmem>>
    tpu.wait_dma2 semaphore(%arg13 : memref<!tpu.dma_semaphore, #tpu.memory_space<semaphore_mem>>) src(%dma_wait3A_107 : memref<8x128xf32, #tpu.memory_space<vmem>>) dst(%dma_wait3A_104 : memref<8x128xf32, #tpu.memory_space<hbm>>)
    %dma_wait3A_108 = arith.constant 0 : i32
    %dma_wait3A_109 = arith.constant 2 : i32
    %dma_wait3A_110 = arith.constant 16 : i32
    %dma_wait3A_111 = arith.constant 0 : i32
    %dma_wait3A_112 = tpu.memref_slice %arg9[%dma_wait3A_110, %dma_wait3A_111] : memref<32x129xf32, #tpu.memory_space<vmem>> -> memref<8x128xf32, #tpu.memory_space<vmem>>
    %dma_wait3A_113 = arith.constant 0 : i32
    %dma_wait3A_114 = arith.constant 0 : i32
    %dma_wait3A_115 = tpu.memref_slice %arg4[%dma_wait3A_108, %dma_wait3A_109, %add3A, %dma_wait3A_113, %dma_wait3A_114] : memref<200x4x32x8x128xf32, #tpu.memory_space<hbm>> -> memref<1x1x1x8x128xf32, #tpu.memory_space<hbm>>
    %dma_wait3A_116 = tpu.memref_squeeze %dma_wait3A_115 : memref<1x1x1x8x128xf32, #tpu.memory_space<hbm>> -> memref<8x128xf32, #tpu.memory_space<hbm>>
    %dma_wait3A_117 = arith.constant 0 : i32
    %dma_wait3A_118 = arith.constant 0 : i32
    %dma_wait3A_119 = tpu.memref_slice %arg4[%dma_wait3A_108, %dma_wait3A_109, %add3A, %dma_wait3A_117, %dma_wait3A_118] : memref<200x4x32x8x128xf32, #tpu.memory_space<hbm>> -> memref<1x1x1x8x128xf32, #tpu.memory_space<hbm>>
    %dma_wait3A_120 = tpu.memref_squeeze %dma_wait3A_119 : memref<1x1x1x8x128xf32, #tpu.memory_space<hbm>> -> memref<8x128xf32, #tpu.memory_space<hbm>>
    %dma_wait3A_121 = arith.constant 16 : i32
    %dma_wait3A_122 = arith.constant 0 : i32
    %dma_wait3A_123 = tpu.memref_slice %arg9[%dma_wait3A_121, %dma_wait3A_122] : memref<32x129xf32, #tpu.memory_space<vmem>> -> memref<8x128xf32, #tpu.memory_space<vmem>>
    tpu.wait_dma2 semaphore(%arg13 : memref<!tpu.dma_semaphore, #tpu.memory_space<semaphore_mem>>) src(%dma_wait3A_123 : memref<8x128xf32, #tpu.memory_space<vmem>>) dst(%dma_wait3A_120 : memref<8x128xf32, #tpu.memory_space<hbm>>)
    %dma_wait3A_124 = arith.constant 0 : i32
    %dma_wait3A_125 = arith.constant 3 : i32
    %dma_wait3A_126 = arith.constant 24 : i32
    %dma_wait3A_127 = arith.constant 0 : i32
    %dma_wait3A_128 = tpu.memref_slice %arg9[%dma_wait3A_126, %dma_wait3A_127] : memref<32x129xf32, #tpu.memory_space<vmem>> -> memref<8x128xf32, #tpu.memory_space<vmem>>
    %dma_wait3A_129 = arith.constant 0 : i32
    %dma_wait3A_130 = arith.constant 0 : i32
    %dma_wait3A_131 = tpu.memref_slice %arg4[%dma_wait3A_124, %dma_wait3A_125, %add3A, %dma_wait3A_129, %dma_wait3A_130] : memref<200x4x32x8x128xf32, #tpu.memory_space<hbm>> -> memref<1x1x1x8x128xf32, #tpu.memory_space<hbm>>
    %dma_wait3A_132 = tpu.memref_squeeze %dma_wait3A_131 : memref<1x1x1x8x128xf32, #tpu.memory_space<hbm>> -> memref<8x128xf32, #tpu.memory_space<hbm>>
    %dma_wait3A_133 = arith.constant 0 : i32
    %dma_wait3A_134 = arith.constant 0 : i32
    %dma_wait3A_135 = tpu.memref_slice %arg4[%dma_wait3A_124, %dma_wait3A_125, %add3A, %dma_wait3A_133, %dma_wait3A_134] : memref<200x4x32x8x128xf32, #tpu.memory_space<hbm>> -> memref<1x1x1x8x128xf32, #tpu.memory_space<hbm>>
    %dma_wait3A_136 = tpu.memref_squeeze %dma_wait3A_135 : memref<1x1x1x8x128xf32, #tpu.memory_space<hbm>> -> memref<8x128xf32, #tpu.memory_space<hbm>>
    %dma_wait3A_137 = arith.constant 24 : i32
    %dma_wait3A_138 = arith.constant 0 : i32
    %dma_wait3A_139 = tpu.memref_slice %arg9[%dma_wait3A_137, %dma_wait3A_138] : memref<32x129xf32, #tpu.memory_space<vmem>> -> memref<8x128xf32, #tpu.memory_space<vmem>>
    tpu.wait_dma2 semaphore(%arg13 : memref<!tpu.dma_semaphore, #tpu.memory_space<semaphore_mem>>) src(%dma_wait3A_139 : memref<8x128xf32, #tpu.memory_space<vmem>>) dst(%dma_wait3A_136 : memref<8x128xf32, #tpu.memory_space<hbm>>)
    %dma_wait3A_140 = arith.constant 0 : i32
    %dma_wait3A_141 = arith.constant 0 : i32
    %dma_wait3A_142 = tpu.memref_slice %arg3[%dma_wait3A_140, %dma_wait3A_141] : memref<1000000x32xf32, #tpu.memory_space<hbm>> -> memref<128x32xf32, #tpu.memory_space<hbm>>
    %dma_wait3A_143 = arith.constant 0 : i32
    %dma_wait3A_144 = arith.constant 0 : i32
    %dma_wait3A_145 = tpu.memref_slice %arg3[%dma_wait3A_143, %dma_wait3A_144] : memref<1000000x32xf32, #tpu.memory_space<hbm>> -> memref<128x32xf32, #tpu.memory_space<hbm>>
    tpu.wait_dma2 semaphore(%arg10 : memref<!tpu.dma_semaphore, #tpu.memory_space<semaphore_mem>>) src(%dma_wait3A_145 : memref<128x32xf32, #tpu.memory_space<hbm>>) dst(%arg6 : memref<128x32xf32, #tpu.memory_space<vmem>>)
    return
  }
}

</mosaic_0001>

<sc_bundles>
// kernel: _sc_embed.3.cloned.1.call-start
scs
__scs_entry_jumppad:
0x0: {  	(pc) =	sbr.rel $0x88, $3  }
0x1: {  	(tag) =	ssettag $0x0;
	lr =	simm.s32 $0x1  }
0x2: {  	[smem:$0x3F9F] =	sst lr;
	_ =	strace $0xD0000000  }
0x3: {  	_ = 	snop  }
0x4: {  	_ = 	snop  }
0x5: {  	_ = 	snop  }
0x6: {  	_ = 	snop  }
0x7: {  	_ = 	snop  }
__scs_overlays_trampoline_lowered:
0x8: {  	[smem:$0x3FAE] =	sst s0  }
0x9: {  	[smem:$0x3FAF] =	sst s1  }
0xa: {  	[smem:$0x3FB0] =	sst s2  }
0xb: {  	[smem:$0x3FB1] =	sst s3  }
0xc: {  	[smem:$0x3FB2] =	sst s4  }
0xd: {  	[smem:$0x3FB3] =	sst s5  }
0xe: {  	[smem:$0x3FB4] =	sst s6  }
0xf: {  	[smem:$0x3FB5] =	sst s7  }
0x10: {  	[smem:$0x3FB6] =	sst s8  }
0x11: {  	[smem:$0x3FB7] =	sst s9;
	s0 =	simm.s32 @!p0 $0x0  }
0x12: {  	s1 =	sld [smem:$0x3F9D];
	s0 =	simm.s32 @p0 $0x1  }
0x13: {  	[smem:$0x3FB8] =	sst s0;
	s0 =	simm.s32 @!p1 $0x0  }
0x14: {  	s2 =	sld [smem:$0x3F9C];
	s0 =	simm.s32 @p1 $0x1  }
0x15: {  	[smem:$0x3FB9] =	sst s0;
	s0 =	simm.s32 @!p2 $0x0  }
0x16: {  	s3 =	sld [smem:$0x3FDB];
	s0 =	simm.s32 @p2 $0x1  }
0x17: {  	s4 =	simm.s32 $0x1BF5;
	[smem:$0x3FBB] =	sst s0  }
0x18: {  	s0 =	sld [smem:$0x3F9E];
	_ =	swait.ge [sflag:s4], $0x0  }
0x19: {  	s7 =	sld [smem:$0x3F9F]  }
0x1a: {  	s8 =	sadd.s32 $0xFFFFE003, lr  }
0x1b: {  	s9 =	sadd.s32 $0xFFFFFEF7, lr;
	s5 =	simm.s32 $0xFFFFFFFF;
	p2 =	slt.u32 s8, $0xFFFFF086  }
0x1c: {  	p1 =	slt.u32 s9, $0xF7A;
	s5 =	simm.s32 @!p2 $0x0  }
0x1d: {  	s5 =	simm.s32 @p1 $0x1;
	p0 =	seq.s32 s7, s2  }
0x1e: {  	s7 =	smul.u32 @!p0 $0xF7A, s2;
	p2 =	seq.s32 @!p0 s5, $0x0  }
0x1f: {  	s9 =	smul.u32 $0xF7A, s1;
	s8 =	simm.s32 @!p0 $0x1BF5;
	p2 =	por !p2, p0  }
0x20: {  	[sflag:s8] =	ssyncset.s32 @!p0 $0xFFFFF086;
	s6 =	sadd.s32 @!p0 s3, s7;
	s7 =	simm.s32 @!p0 $0x108  }
0x21: {  	s3 =	sadd.s32 s3, s9;
	s6 =	sadd.s32 @!p0 $0x88, s6;
	s7 =	simm.s32 @p2 $0x1082  }
0x22: {  	[simem:s7], [sflag:s8] =	dma.local @!p0 [hbm:s6], $0xF7A  }
0x23: {  	s9 =	sor.u32 $0xD0000000, s2;
	s6 =	simm.s32 $0x108;
	_ =	swait.ge @!p0 [sflag:s8], $0x0  }
0x24: {  	s3 =	sadd.s32 $0x88, s3;
	s6 =	simm.s32 @!p1 $0x1082;
	[sflag:s4] =	ssyncset.s32 $0xFFFFF086  }
0x25: {  	[simem:s6], [sflag:s4] =	dma.local [hbm:s3], $0xF7A  }
0x26: {  	[smem:$0x3F9F] =	sst s1;
	(tag) =	ssettag s2;
	_ =	strace s9  }
0x27: {  	s1 =	sld [smem:$0x3FAF]  }
0x28: {  	s2 =	sld [smem:$0x3FB0]  }
0x29: {  	s4 =	sld [smem:$0x3FB2]  }
0x2a: {  	p0 =	seq.s32 s5, $0x0;
	s5 =	sld [smem:$0x3FB3]  }
0x2b: {  	s6 =	sld [smem:$0x3FB4]  }
0x2c: {  	s7 =	sld [smem:$0x3FB5]  }
0x2d: {  	s3 =	simm.s32 $0x108;
	s8 =	sld [smem:$0x3FB6]  }
0x2e: {  	s3 =	simm.s32 @!p0 $0x1082;
	s9 =	sld [smem:$0x3FB7]  }
0x2f: {  	lr =	sadd.s32 s0, s3;
	s0 =	sld [smem:$0x3FAE]  }
0x30: {  	s3 =	sld [smem:$0x3FB1]  }
0x31: {  	[smem:$0x3FBA] =	sst s10  }
0x32: {  	s10 =	sld [smem:$0x3FB8];
	_ =	sdelay $0x3  }
0x33: {  	p0 =	seq.s32 s10, $0x1;
	s10 =	sld [smem:$0x3FBA];
	_ =	sdelay $0x3  }
0x34: {  	[smem:$0x3FBA] =	sst s10  }
0x35: {  	s10 =	sld [smem:$0x3FB9];
	_ =	sdelay $0x3  }
0x36: {  	p1 =	seq.s32 s10, $0x1;
	s10 =	sld [smem:$0x3FBA];
	_ =	sdelay $0x3  }
0x37: {  	[smem:$0x3FBA] =	sst s10  }
0x38: {  	s10 =	sld [smem:$0x3FBB]  }
0x39: {  	_ = 	snop;
	(pc) =	sbr.ind lr, $3  }
0x3a: {  	_ = 	snop  }
0x3b: {  	_ = 	snop  }
0x3c: {  	p2 =	seq.s32 s10, $0x1;
	s10 =	sld [smem:$0x3FBA]  }
0x3d: {  	_ =	shalt  }
0x3e: {  	_ =	shalt  }
0x3f: {  	_ =	shalt  }
0x40: {  	_ =	shalt  }
0x41: {  	_ =	shalt  }
0x42: {  	_ =	shalt  }
0x43: {  	_ =	shalt  }
0x44: {  	_ =	shalt  }
0x45: {  	_ =	shalt  }
0x46: {  	_ =	shalt  }
0x47: {  	_ =	shalt  }
0x48: {  	_ =	shalt  }
0x49: {  	_ =	shalt  }
0x4a: {  	_ =	shalt  }
0x4b: {  	_ =	shalt  }
0x4c: {  	_ =	shalt  }
0x4d: {  	_ =	shalt  }
0x4e: {  	_ =	shalt  }
0x4f: {  	_ =	shalt  }
0x50: {  	_ =	shalt  }
0x51: {  	_ =	shalt  }
0x52: {  	_ =	shalt  }
0x53: {  	_ =	shalt  }
0x54: {  	_ =	shalt  }
0x55: {  	_ =	shalt  }
0x56: {  	_ =	shalt  }
0x57: {  	_ =	shalt  }
0x58: {  	_ =	shalt  }
0x59: {  	_ =	shalt  }
0x5a: {  	_ =	shalt  }
0x5b: {  	_ =	shalt  }
0x5c: {  	_ =	shalt  }
0x5d: {  	_ =	shalt  }
0x5e: {  	_ =	shalt  }
0x5f: {  	_ =	shalt  }
0x60: {  	_ =	shalt  }
0x61: {  	_ =	shalt  }
0x62: {  	_ =	shalt  }
0x63: {  	_ =	shalt  }
0x64: {  	_ =	shalt  }
0x65: {  	_ =	shalt  }
0x66: {  	_ =	shalt  }
0x67: {  	_ =	shalt  }
0x68: {  	_ =	shalt  }
0x69: {  	_ =	shalt  }
0x6a: {  	_ =	shalt  }
0x6b: {  	_ =	shalt  }
0x6c: {  	_ =	shalt  }
0x6d: {  	_ =	shalt  }
0x6e: {  	_ =	shalt  }
0x6f: {  	_ =	shalt  }
0x70: {  	_ =	shalt  }
0x71: {  	_ =	shalt  }
0x72: {  	_ =	shalt  }
0x73: {  	_ =	shalt  }
0x74: {  	_ =	shalt  }
0x75: {  	_ =	shalt  }
0x76: {  	_ =	shalt  }
0x77: {  	_ =	shalt  }
0x78: {  	_ =	shalt  }
0x79: {  	_ =	shalt  }
0x7a: {  	_ =	shalt  }
0x7b: {  	_ =	shalt  }
0x7c: {  	_ =	shalt  }
0x7d: {  	_ =	shalt  }
0x7e: {  	_ =	shalt  }
0x7f: {  	_ =	shalt  }
0x80: {  	_ =	shalt  }
0x81: {  	_ =	shalt  }
0x82: {  	_ =	shalt  }
0x83: {  	_ =	shalt  }
0x84: {  	_ =	shalt  }
0x85: {  	_ =	shalt  }
0x86: {  	_ =	shalt  }
0x87: {  	_ =	shalt  }
.Lfunc_end0:
.L_simem_size_0:
called_computation_lowered:
.L_overlay_start_0:
0x88: {  	s2 =	sld [smem:$0x3FD9]  }
0x89: {  	s3 =	sld [smem:$0x3FFE];
	_ =	sdelay $0x1  }
0x8a: {  	s1 =	srdreg.scid  }
0x8b: {  	s0 =	sand.u32 $0x1, s1  }
0x8c: {  	s17 =	sshll.u32 s0, $0xA;
	s2 =	sadd.s32 s3, s2  }
0x8d: {  	s2 =	sadd.s32 s2, s17  }
0x8e: {  	[smem:$0x3FC6] =	sst s2  }
0x8f: {  	_ = 	snop  }
0x90: {  	s2 =	sld [smem:$0x3FC9]  }
0x91: {  	s18 =	sld [smem:$0x3FD0];
	(tm) =	ssettm $0x1  }
0x92: {  	s4 =	sld [smem:$0x3FFB];
	_ =	sdelay $0x3  }
0x93: {  	_ =	strace s4  }
0x94: {  	s4 =	sld [smem:$0x3FFC];
	_ =	sdelay $0x3  }
0x95: {  	_ =	strace s4  }
0x96: {  	s4 =	sld [smem:$0x3FFD];
	_ =	sdelay $0x3  }
0x97: {  	_ =	strace s4  }
0x98: {  	_ =	strace $0x8FFFFFFF  }
0x99: {  	s19 =	sld [smem:$0x3FDB];
	_ =	sdelay $0x1  }
0x9a: {  	s5 =	simm.s32 $_scs_section_size  }
0x9b: {  	s6 =	simm.s32 $_size__tile_overlayer_lowered;
	s7 =	simm.s32 $_tile_overlayer_lowered  }
0x9c: {  	s22 =	simm.s32 $0x1BFF;
	s21 =	sshll.u32 s7, $0x1;
	s4 =	sadd.s32 s5, s19  }
0x9d: {  	s8 =	simm.s32 $0x0;
	s20 =	sshll.u32 s6, $0x1;
	s6 =	sadd.s32 s21, s4  }
0x9e: {  	[timem:s8], [sflag:s22] =	dma.local [hbm:s6], s20  }
0x9f: {  	_ =	swait.ge [sflag:s22], s20  }
0xa0: {  	s5 =	ssub.s32 $0x0, s20;
	[sflag:s22] =	ssyncset.done $0x0  }
0xa1: {  	[sflag:s22] =	ssyncadd.s32 s5;
	_ =	sdelay $0x1  }
0xa2: {  	s23 =	simm.s32 $0x1B8B  }
0xa3: {  	_ =	swait.ge [sflag:s23], $0x1  }
0xa4: {  	[sflag:s23] =	ssyncset.done $0x0  }
0xa5: {  	s25 =	simm.s32 $0x1B8E;
	s24 =	sld [smem:$0x3FFE];
	[sflag:s23] =	ssyncadd.s32 $0xFFFFFFFF  }
0xa6: {  	s26 =	simm.s32 $execute0_lowered;
	[smem:$0x3FD2] =	sst s25  }
0xa7: {  	s6 =	sshll.u32 s26, $0x1;
	_ =	strace $0x80000046;
	[dreg:$0x1] =	wrdreg $0xFFFFFFFF  }
0xa8: {  	s28 =	simm.s32 $_size_execute0_lowered;
	s4 =	sadd.s32 s4, s6;
	[dreg:$0x0] =	wrdreg $0x0  }
0xa9: {  	s6 =	sshll.u32 s28, $0x1;
	[dreg:$0x2] =	wrdreg s4  }
0xaa: {  	[dreg:$0x3] =	wrdreg s6  }
0xab: {  	[dreg:$0x4] =	wrdreg $0xC0  }
0xac: {  	_ =	task [dreg:s8], $0x5FFFF  }
0xad: {  	[dreg:$0x1] =	wrdreg $0xFFFFFFFF  }
0xae: {  	[dreg:$0x0] =	wrdreg $0x60  }
0xaf: {  	[dreg:$0x2] =	wrdreg s2  }
0xb0: {  	[dreg:$0x3] =	wrdreg s24  }
0xb1: {  	[dreg:$0x4] =	wrdreg s18  }
0xb2: {  	[dreg:$0x5] =	wrdreg $0x9  }
0xb3: {  	_ =	task.clear_ibuf [dreg:s8], $0x6FFFF;
	_ =	strace $0x90000046  }
0xb4: {  	s29 =	simm.s32 $0x9;
	_ =	strace $0x80000048  }
0xb5: {  	_ =	swait.ge [sflag:s29], $0x1  }
0xb6: {  	[sflag:s29] =	ssyncadd.s32 $0xFFFFFFFF  }
0xb7: {  	_ =	strace $0x90000048  }
0xb8: {  	_ =	sfence  }
0xb9: {  	s30 =	sld [smem:$0x0];
	_ =	sdelay $0x2  }
0xba: {  	s31 =	sshll.u32 s1, $0xD;
	s1 =	sshrl.u32 s1, $0x2  }
0xbb: {  	s3 =	sand.u32 $0x4000, s31;
	s1 =	sadd.s32 s1, s30  }
0xbc: {  	s0 =	sor.u32 s3, s0;
	s1 =	sshll.u32 s1, $0x11  }
0xbd: {  	s0 =	sor.u32 s1, s0  }
0xbe: {  	s0 =	sadd.s32 $0x8F2B, s0  }
0xbf: {  	[sflag:s0] =	ssyncadd.remote.s32 $0x1  }
0xc0: {  	_ =	sfence.sel $0xFFFF  }
0xc1: {  	[dreg:$0x0] =	wrdreg $0xFFFFFFFF;
	(pc) =	sbr.abs _section_cstart, $3  }
0xc2: {  	[dreg:$0x1] =	wrdreg $0xFFFFFFFF  }
0xc3: {  	_ =	task.clear_ibuf [dreg:s8], $0x2FFFF;
	_ =	strace $0x9FFFFFFF  }
0xc4: {  	(tm) =	ssettm $0x7FFFFFFF  }
0xc5: {  	_ =	shalt  }
tec
execute0_lowered:
.L_overlay_start_1:
0x0: {  	(tag) =	ssettag $0x1  }
0x1: {  	s0 =	rddreg [dreg:$0x0]  }
0x2: {  	s1 =	rddreg [dreg:$0x1]  }
0x3: {  	s2 =	rddreg [dreg:$0x2]  }
0x4: {  	s4 =	srdreg.scid;
	s3 =	simm.s32 $0x0;
	s5 =	stileid.u32  }
0x5: {  	s14 =	simm.s32 $0x80;
	s17 =	simm.s32 $0x1;
	s18 =	simm.s32 $0x8400  }
0x6: {  	s31 =	simm.s32 $0x2;
	s11 =	simm.s32 $0x9FA0;
	s12 =	simm.s32 $0xA028  }
0x7: {  	s10 =	simm.s32 $0xA138;
	s13 =	simm.s32 $0xA1C0;
	s16 =	simm.s32 $0xA248  }
0x8: {  	s19 =	simm.s32 $0xA2D0;
	s20 =	simm.s32 $0xA358;
	s21 =	simm.s32 $0xA3E0  }
0x9: {  	v0 =	vlaneseq.u32;
	s22 =	simm.s32 $0xA468;
	s23 =	simm.s32 $0xA4F0;
	s24 =	simm.s32 $0xA578  }
0xa: {  	v1 =	vimm.s32 $0x0;
	vm0 =	vcmask $0x300;
	s15 =	simm.s32 $0x0;
	s4 =	sand.u32 $0x1, s4;
	[smem:$0x7FF] =	sst s3;
	v0 =	vmul.u32 $0x88, v0  }
0xb: {  	s5 =	sshll.u32 s5, $0xB;
	s8 =	sadd.s32 $0x2000, s2;
	v1 =	vsel vm0, $0x3, v1;
	s6 =	sshll.u32 s4, $0xA  }
0xc: {  	s9 =	sadd.s32 $0x3000, s2;
	s7 =	ssub.s32 $0x2, s4;
	s4 =	sor.u32 s6, s5;
	v2 =	vadd.s32 $0x880, v0;
	v3 =	vor.u32 $0x1, v0;
	v4 =	vadd.s32 $0x881, v0  }
0xd: {  	_ =	strace $0x80000047;
	s29 =	sshrl.u32 s7, $0x1;
	v5 =	vor.u32 $0x2, v0;
	v6 =	vadd.s32 $0x882, v0;
	v7 =	vor.u32 $0x3, v0;
	s6 =	sshrl.u32 s4, $0x3  }
0xe: {  	s5 =	sadd.s32 $0xF42800, s1;
	v8 =	vadd.s32 $0x883, v0;
	v9 =	vor.u32 $0x4, v0;
	v10 =	vadd.s32 $0x884, v0;
	s1 =	ssub.s32 s7, s29;
	s0 =	sadd.s32 s0, s6  }
0xf: {  	v11 =	vor.u32 $0x5, v0;
	v12 =	vadd.s32 $0x885, v0;
	v13 =	vor.u32 $0x6, v0;
	s7 =	sadd.s32 $0x1000, s2;
	s30 =	smax.u32 s1, $0x1;
	[dreg:$0x4] =	wrdreg s0  }
0x10: {  	v14 =	vadd.s32 $0x886, v0;
	v15 =	vor.u32 $0x7, v0;
	v16 =	vadd.s32 $0x887, v0;
	s6 =	simm.s32 $0xA0B0;
	[dreg:$0x5] =	wrdreg s30;
	s0 =	simm.s32 $0x9500  }
.LBB2_1:
0x11: {  	[dreg:$0x6] =	wrdreg s15  }
0x12: {  	s1 =	rddreg [dreg:$0x4]  }
0x13: {  	s28 =	simm.s32 $0x400;
	s25 =	simm.s32 $0x8000;
	s29 =	simm.s32 $0x5  }
0x14: {  	[tilespmem:s3], [sflag:$0x5] =	stream.strided.gather [hbm4b:s1+s28], $0x6400, s25, s28, $0x38;
	[tilespmem:$0xA600] =	vst v63  }
0x15: {  	_ =	swait.ge [sflag:s29], $0x6400  }
0x16: {  	[sflag:s29] =	ssyncset.done $0x0  }
0x17: {  	s30 =	simm.s32 $0x6400;
	s25 =	simm.s32 $0x0;
	[sflag:s29] =	ssyncadd.s32 $0xFFFF9C00  }
0x18: {  	[tilespmem:s30], [sflag:$0x1] =	stream.indirect.gather [hbm4b:s5+s14], $0x20, s3, s14, $0xb8;
	[tilespmem:$0xA600] =	vst v63  }
.LBB2_2:
0x19: {  	s15 =	sshllo.u32 s25, $0x1  }
0x1a: {  	s28 =	sshll.u32 s25, $0x8;
	s26 =	sshll.u32 s15, $0x7  }
0x1b: {  	s28 =	sand.u32 $0x7C00, s28;
	s26 =	sand.u32 $0x380, s26  }
0x1c: {  	s1 =	simm.s32 $0x7400;
	s26 =	sor.u32 s26, s28  }
0x1d: {  	[tilespmem:s1], [sflag:$0x2] =	stream.indirect.gather [hbm4b:s5+s14], $0x20, s26, s14, $0xb8;
	[tilespmem:$0xA600] =	vst v63  }
0x1e: {  	_ =	swait.ge [sflag:s17], $0x1000  }
0x1f: {  	p0 =	seq.s32 s25, $0x0;
	[sflag:s17] =	ssyncset.done $0x0  }
0x20: {  	s26 =	simm.s32 @!p0 $0x3;
	[sflag:s17] =	ssyncadd.s32 $0xFFFFF000  }
0x21: {  	_ =	swait.ge @!p0 [sflag:s26], $0x400  }
0x22: {  	[sflag:s26] =	ssyncset.done @!p0 $0x0  }
0x23: {  	[sflag:s26] =	ssyncadd.s32 @!p0 $0xFFFFFC00  }
0x24: {  	_ =	swait.ge @!p0 [sflag:s26], $0x400  }
0x25: {  	[sflag:s26] =	ssyncset.done @!p0 $0x0  }
0x26: {  	[sflag:s26] =	ssyncadd.s32 @!p0 $0xFFFFFC00  }
0x27: {  	s28 =	simm.s32 $0x0;
	_ =	swait.ge @!p0 [sflag:s26], $0x400  }
0x28: {  	v17 =	vmov s28;
	[sflag:s26] =	ssyncset.done @!p0 $0x0  }
0x29: {  	v17 =	vshrl.u32 v17, $0x3;
	[sflag:s26] =	ssyncadd.s32 @!p0 $0xFFFFFC00  }
0x2a: {  	v17 =	vshll.u32 v17, v1;
	_ =	swait.ge @!p0 [sflag:s26], $0x400  }
0x2b: {  	v17 =	vbroadcast v17, $0x0;
	[sflag:s26] =	ssyncset.done @!p0 $0x0  }
0x2c: {  	s28 =	simm.s32 $0x6500;
	[sflag:s26] =	ssyncadd.s32 @!p0 $0xFFFFFC00  }
0x2d: {  	v19 =	vadd.s32 v0, v17;
	v18 =	vld [tilespmem:s28+$0xFFFFFF00];
	_ =	sdelay $0x4  }
0x2e: {  	[tilespmem:v19+s18+$0x0] =	vst.idx.msk $0xffff, v18  }
0x2f: {  	s1 =	simm.s32 $0x1;
	v17 =	vadd.s32 v2, v17;
	v18 =	vld [tilespmem:s28+$0xFFFFFF10]  }
0x30: {  	v19 =	vmov s1  }
0x31: {  	v19 =	vshrl.u32 v19, $0x3  }
0x32: {  	v19 =	vshll.u32 v19, v1  }
0x33: {  	v19 =	vbroadcast v19, $0x0  }
0x34: {  	[tilespmem:v17+s18+$0x0] =	vst.idx.msk $0xffff, v18  }
0x35: {  	v18 =	vadd.s32 v3, v19;
	v17 =	vld [tilespmem:s28+$0xFFFFFF20];
	_ =	sdelay $0x4  }
0x36: {  	[tilespmem:v18+s18+$0x0] =	vst.idx.msk $0xffff, v17  }
0x37: {  	s1 =	simm.s32 $0x2;
	v18 =	vadd.s32 v4, v19;
	v17 =	vld [tilespmem:s28+$0xFFFFFF30]  }
0x38: {  	v19 =	vmov s1  }
0x39: {  	v19 =	vshrl.u32 v19, $0x3  }
0x3a: {  	v19 =	vshll.u32 v19, v1  }
0x3b: {  	v19 =	vbroadcast v19, $0x0  }
0x3c: {  	[tilespmem:v18+s18+$0x0] =	vst.idx.msk $0xffff, v17  }
0x3d: {  	v18 =	vadd.s32 v5, v19;
	v17 =	vld [tilespmem:s28+$0xFFFFFF40];
	_ =	sdelay $0x4  }
0x3e: {  	[tilespmem:v18+s18+$0x0] =	vst.idx.msk $0xffff, v17  }
0x3f: {  	s1 =	simm.s32 $0x3;
	v18 =	vadd.s32 v6, v19;
	v17 =	vld [tilespmem:s28+$0xFFFFFF50]  }
0x40: {  	v19 =	vmov s1  }
0x41: {  	v19 =	vshrl.u32 v19, $0x3  }
0x42: {  	v19 =	vshll.u32 v19, v1  }
0x43: {  	v19 =	vbroadcast v19, $0x0  }
0x44: {  	[tilespmem:v18+s18+$0x0] =	vst.idx.msk $0xffff, v17  }
0x45: {  	v18 =	vadd.s32 v7, v19;
	v17 =	vld [tilespmem:s28+$0xFFFFFF60];
	_ =	sdelay $0x4  }
0x46: {  	[tilespmem:v18+s18+$0x0] =	vst.idx.msk $0xffff, v17  }
0x47: {  	s1 =	simm.s32 $0x4;
	v18 =	vadd.s32 v8, v19;
	v17 =	vld [tilespmem:s28+$0xFFFFFF70]  }
0x48: {  	v19 =	vmov s1  }
0x49: {  	v19 =	vshrl.u32 v19, $0x3  }
0x4a: {  	v19 =	vshll.u32 v19, v1  }
0x4b: {  	v19 =	vbroadcast v19, $0x0  }
0x4c: {  	[tilespmem:v18+s18+$0x0] =	vst.idx.msk $0xffff, v17  }
0x4d: {  	v18 =	vadd.s32 v9, v19;
	v17 =	vld [tilespmem:s28+$0xFFFFFF80];
	_ =	sdelay $0x4  }
0x4e: {  	[tilespmem:v18+s18+$0x0] =	vst.idx.msk $0xffff, v17  }
0x4f: {  	s1 =	simm.s32 $0x5;
	v18 =	vadd.s32 v10, v19;
	v17 =	vld [tilespmem:s28+$0xFFFFFF90]  }
0x50: {  	v19 =	vmov s1  }
0x51: {  	v19 =	vshrl.u32 v19, $0x3  }
0x52: {  	v19 =	vshll.u32 v19, v1  }
0x53: {  	v19 =	vbroadcast v19, $0x0  }
0x54: {  	[tilespmem:v18+s18+$0x0] =	vst.idx.msk $0xffff, v17  }
0x55: {  	v18 =	vadd.s32 v11, v19;
	v17 =	vld [tilespmem:s28+$0xFFFFFFA0];
	_ =	sdelay $0x4  }
0x56: {  	[tilespmem:v18+s18+$0x0] =	vst.idx.msk $0xffff, v17  }
0x57: {  	s1 =	simm.s32 $0x6;
	v18 =	vadd.s32 v12, v19;
	v17 =	vld [tilespmem:s28+$0xFFFFFFB0]  }
0x58: {  	v19 =	vmov s1  }
0x59: {  	v19 =	vshrl.u32 v19, $0x3  }
0x5a: {  	v19 =	vshll.u32 v19, v1  }
0x5b: {  	v19 =	vbroadcast v19, $0x0  }
0x5c: {  	[tilespmem:v18+s18+$0x0] =	vst.idx.msk $0xffff, v17  }
0x5d: {  	v18 =	vadd.s32 v13, v19;
	v17 =	vld [tilespmem:s28+$0xFFFFFFC0];
	_ =	sdelay $0x4  }
0x5e: {  	[tilespmem:v18+s18+$0x0] =	vst.idx.msk $0xffff, v17  }
0x5f: {  	s1 =	simm.s32 $0x7;
	v18 =	vadd.s32 v14, v19;
	v17 =	vld [tilespmem:s28+$0xFFFFFFD0]  }
0x60: {  	v19 =	vmov s1  }
0x61: {  	v19 =	vshrl.u32 v19, $0x3  }
0x62: {  	v19 =	vshll.u32 v19, v1  }
0x63: {  	v19 =	vbroadcast v19, $0x0  }
0x64: {  	[tilespmem:v18+s18+$0x0] =	vst.idx.msk $0xffff, v17  }
0x65: {  	v18 =	vadd.s32 v15, v19;
	v17 =	vld [tilespmem:s28+$0xFFFFFFE0];
	_ =	sdelay $0x4  }
0x66: {  	[tilespmem:v18+s18+$0x0] =	vst.idx.msk $0xffff, v17  }
0x67: {  	s1 =	simm.s32 $0x8;
	v18 =	vadd.s32 v16, v19;
	v17 =	vld [tilespmem:s28+$0xFFFFFFF0]  }
0x68: {  	v19 =	vmov s1  }
0x69: {  	v19 =	vshrl.u32 v19, $0x3  }
0x6a: {  	v19 =	vshll.u32 v19, v1  }
0x6b: {  	v19 =	vbroadcast v19, $0x0  }
0x6c: {  	[tilespmem:v18+s18+$0x0] =	vst.idx.msk $0xffff, v17  }
0x6d: {  	v18 =	vadd.s32 v0, v19;
	v17 =	vld [tilespmem:s28+$0x0];
	_ =	sdelay $0x4  }
0x6e: {  	[tilespmem:v18+s18+$0x0] =	vst.idx.msk $0xffff, v17  }
0x6f: {  	s1 =	simm.s32 $0x9;
	v18 =	vadd.s32 v2, v19;
	v17 =	vld [tilespmem:s28+$0x10]  }
0x70: {  	v19 =	vmov s1  }
0x71: {  	v19 =	vshrl.u32 v19, $0x3  }
0x72: {  	v19 =	vshll.u32 v19, v1  }
0x73: {  	v19 =	vbroadcast v19, $0x0  }
0x74: {  	[tilespmem:v18+s18+$0x0] =	vst.idx.msk $0xffff, v17  }
0x75: {  	v18 =	vadd.s32 v3, v19;
	v17 =	vld [tilespmem:s28+$0x20];
	_ =	sdelay $0x4  }
0x76: {  	[tilespmem:v18+s18+$0x0] =	vst.idx.msk $0xffff, v17  }
0x77: {  	s1 =	simm.s32 $0xA;
	v18 =	vadd.s32 v4, v19;
	v17 =	vld [tilespmem:s28+$0x30]  }
0x78: {  	v19 =	vmov s1  }
0x79: {  	v19 =	vshrl.u32 v19, $0x3  }
0x7a: {  	v19 =	vshll.u32 v19, v1  }
0x7b: {  	v19 =	vbroadcast v19, $0x0  }
0x7c: {  	[tilespmem:v18+s18+$0x0] =	vst.idx.msk $0xffff, v17  }
0x7d: {  	v18 =	vadd.s32 v5, v19;
	v17 =	vld [tilespmem:s28+$0x40];
	_ =	sdelay $0x4  }
0x7e: {  	[tilespmem:v18+s18+$0x0] =	vst.idx.msk $0xffff, v17  }
0x7f: {  	s1 =	simm.s32 $0xB;
	v18 =	vadd.s32 v6, v19;
	v17 =	vld [tilespmem:s28+$0x50]  }
0x80: {  	v19 =	vmov s1  }
0x81: {  	v19 =	vshrl.u32 v19, $0x3  }
0x82: {  	v19 =	vshll.u32 v19, v1  }
0x83: {  	v19 =	vbroadcast v19, $0x0  }
0x84: {  	[tilespmem:v18+s18+$0x0] =	vst.idx.msk $0xffff, v17  }
0x85: {  	v18 =	vadd.s32 v7, v19;
	v17 =	vld [tilespmem:s28+$0x60];
	_ =	sdelay $0x4  }
0x86: {  	[tilespmem:v18+s18+$0x0] =	vst.idx.msk $0xffff, v17  }
0x87: {  	s1 =	simm.s32 $0xC;
	v18 =	vadd.s32 v8, v19;
	v17 =	vld [tilespmem:s28+$0x70]  }
0x88: {  	v19 =	vmov s1  }
0x89: {  	v19 =	vshrl.u32 v19, $0x3  }
0x8a: {  	v19 =	vshll.u32 v19, v1  }
0x8b: {  	v19 =	vbroadcast v19, $0x0  }
0x8c: {  	[tilespmem:v18+s18+$0x0] =	vst.idx.msk $0xffff, v17  }
0x8d: {  	v18 =	vadd.s32 v9, v19;
	v17 =	vld [tilespmem:s28+$0x80];
	_ =	sdelay $0x4  }
0x8e: {  	[tilespmem:v18+s18+$0x0] =	vst.idx.msk $0xffff, v17  }
0x8f: {  	s1 =	simm.s32 $0xD;
	v18 =	vadd.s32 v10, v19;
	v17 =	vld [tilespmem:s28+$0x90]  }
0x90: {  	v19 =	vmov s1  }
0x91: {  	v19 =	vshrl.u32 v19, $0x3  }
0x92: {  	v19 =	vshll.u32 v19, v1  }
0x93: {  	v19 =	vbroadcast v19, $0x0  }
0x94: {  	[tilespmem:v18+s18+$0x0] =	vst.idx.msk $0xffff, v17  }
0x95: {  	v18 =	vadd.s32 v11, v19;
	v17 =	vld [tilespmem:s28+$0xA0];
	_ =	sdelay $0x4  }
0x96: {  	[tilespmem:v18+s18+$0x0] =	vst.idx.msk $0xffff, v17  }
0x97: {  	s1 =	simm.s32 $0xE;
	v18 =	vadd.s32 v12, v19;
	v17 =	vld [tilespmem:s28+$0xB0]  }
0x98: {  	v19 =	vmov s1  }
0x99: {  	v19 =	vshrl.u32 v19, $0x3  }
0x9a: {  	v19 =	vshll.u32 v19, v1  }
0x9b: {  	v19 =	vbroadcast v19, $0x0  }
0x9c: {  	[tilespmem:v18+s18+$0x0] =	vst.idx.msk $0xffff, v17  }
0x9d: {  	v18 =	vadd.s32 v13, v19;
	v17 =	vld [tilespmem:s28+$0xC0];
	_ =	sdelay $0x4  }
0x9e: {  	[tilespmem:v18+s18+$0x0] =	vst.idx.msk $0xffff, v17  }
0x9f: {  	s1 =	simm.s32 $0xF;
	v18 =	vadd.s32 v14, v19;
	v17 =	vld [tilespmem:s28+$0xD0]  }
0xa0: {  	v19 =	vmov s1  }
0xa1: {  	v19 =	vshrl.u32 v19, $0x3  }
0xa2: {  	v19 =	vshll.u32 v19, v1  }
0xa3: {  	v19 =	vbroadcast v19, $0x0  }
0xa4: {  	[tilespmem:v18+s18+$0x0] =	vst.idx.msk $0xffff, v17  }
0xa5: {  	v18 =	vadd.s32 v15, v19;
	v17 =	vld [tilespmem:s28+$0xE0];
	_ =	sdelay $0x4  }
0xa6: {  	[tilespmem:v18+s18+$0x0] =	vst.idx.msk $0xffff, v17  }
0xa7: {  	s29 =	simm.s32 $0x10;
	v18 =	vadd.s32 v16, v19;
	v17 =	vld [tilespmem:s28+$0xF0]  }
0xa8: {  	s30 =	simm.s32 $0x20;
	s26 =	sshll.u32 s25, $0x1;
	v19 =	vmov s29  }
.LBB2_3:
0xa9: {  	p1 =	slt.u32 s30, $0x70;
	v19 =	vshrl.u32 v19, $0x3  }
0xaa: {  	v19 =	vshll.u32 v19, v1  }
0xab: {  	v19 =	vbroadcast v19, $0x0  }
0xac: {  	s28 =	sadd.s32 $0x200, s28;
	[tilespmem:v18+s18+$0x0] =	vst.idx.msk $0xffff, v17  }
0xad: {  	v17 =	vld [tilespmem:s28+$0xFFFFFF00];
	v18 =	vadd.s32 v0, v19;
	_ =	sdelay $0x4  }
0xae: {  	[tilespmem:v18+s18+$0x0] =	vst.idx.msk $0xffff, v17  }
0xaf: {  	s1 =	sadd.s32 $0x1, s29;
	v18 =	vadd.s32 v2, v19;
	v17 =	vld [tilespmem:s28+$0xFFFFFF10]  }
0xb0: {  	v19 =	vmov s1  }
0xb1: {  	v19 =	vshrl.u32 v19, $0x3  }
0xb2: {  	v19 =	vshll.u32 v19, v1  }
0xb3: {  	v19 =	vbroadcast v19, $0x0  }
0xb4: {  	[tilespmem:v18+s18+$0x0] =	vst.idx.msk $0xffff, v17  }
0xb5: {  	v18 =	vadd.s32 v3, v19;
	v17 =	vld [tilespmem:s28+$0xFFFFFF20];
	_ =	sdelay $0x4  }
0xb6: {  	[tilespmem:v18+s18+$0x0] =	vst.idx.msk $0xffff, v17  }
0xb7: {  	s1 =	sadd.s32 $0x2, s29;
	v18 =	vadd.s32 v4, v19;
	v17 =	vld [tilespmem:s28+$0xFFFFFF30]  }
0xb8: {  	v19 =	vmov s1  }
0xb9: {  	v19 =	vshrl.u32 v19, $0x3  }
0xba: {  	v19 =	vshll.u32 v19, v1  }
0xbb: {  	v19 =	vbroadcast v19, $0x0  }
0xbc: {  	[tilespmem:v18+s18+$0x0] =	vst.idx.msk $0xffff, v17  }
0xbd: {  	v18 =	vadd.s32 v5, v19;
	v17 =	vld [tilespmem:s28+$0xFFFFFF40];
	_ =	sdelay $0x4  }
0xbe: {  	[tilespmem:v18+s18+$0x0] =	vst.idx.msk $0xffff, v17  }
0xbf: {  	s1 =	sadd.s32 $0x3, s29;
	v18 =	vadd.s32 v6, v19;
	v17 =	vld [tilespmem:s28+$0xFFFFFF50]  }
0xc0: {  	v19 =	vmov s1  }
0xc1: {  	v19 =	vshrl.u32 v19, $0x3  }
0xc2: {  	v19 =	vshll.u32 v19, v1  }
0xc3: {  	v19 =	vbroadcast v19, $0x0  }
0xc4: {  	[tilespmem:v18+s18+$0x0] =	vst.idx.msk $0xffff, v17  }
0xc5: {  	v18 =	vadd.s32 v7, v19;
	v17 =	vld [tilespmem:s28+$0xFFFFFF60];
	_ =	sdelay $0x4  }
0xc6: {  	[tilespmem:v18+s18+$0x0] =	vst.idx.msk $0xffff, v17  }
0xc7: {  	s1 =	sadd.s32 $0x4, s29;
	v18 =	vadd.s32 v8, v19;
	v17 =	vld [tilespmem:s28+$0xFFFFFF70]  }
0xc8: {  	v19 =	vmov s1  }
0xc9: {  	v19 =	vshrl.u32 v19, $0x3  }
0xca: {  	v19 =	vshll.u32 v19, v1  }
0xcb: {  	v19 =	vbroadcast v19, $0x0  }
0xcc: {  	[tilespmem:v18+s18+$0x0] =	vst.idx.msk $0xffff, v17  }
0xcd: {  	v18 =	vadd.s32 v9, v19;
	v17 =	vld [tilespmem:s28+$0xFFFFFF80];
	_ =	sdelay $0x4  }
0xce: {  	[tilespmem:v18+s18+$0x0] =	vst.idx.msk $0xffff, v17  }
0xcf: {  	s1 =	sadd.s32 $0x5, s29;
	v18 =	vadd.s32 v10, v19;
	v17 =	vld [tilespmem:s28+$0xFFFFFF90]  }
0xd0: {  	v19 =	vmov s1  }
0xd1: {  	v19 =	vshrl.u32 v19, $0x3  }
0xd2: {  	v19 =	vshll.u32 v19, v1  }
0xd3: {  	v19 =	vbroadcast v19, $0x0  }
0xd4: {  	[tilespmem:v18+s18+$0x0] =	vst.idx.msk $0xffff, v17  }
0xd5: {  	v18 =	vadd.s32 v11, v19;
	v17 =	vld [tilespmem:s28+$0xFFFFFFA0];
	_ =	sdelay $0x4  }
0xd6: {  	[tilespmem:v18+s18+$0x0] =	vst.idx.msk $0xffff, v17  }
0xd7: {  	s1 =	sadd.s32 $0x6, s29;
	v18 =	vadd.s32 v12, v19;
	v17 =	vld [tilespmem:s28+$0xFFFFFFB0]  }
0xd8: {  	v19 =	vmov s1  }
0xd9: {  	v19 =	vshrl.u32 v19, $0x3  }
0xda: {  	v19 =	vshll.u32 v19, v1  }
0xdb: {  	v19 =	vbroadcast v19, $0x0  }
0xdc: {  	[tilespmem:v18+s18+$0x0] =	vst.idx.msk $0xffff, v17  }
0xdd: {  	v18 =	vadd.s32 v13, v19;
	v17 =	vld [tilespmem:s28+$0xFFFFFFC0];
	_ =	sdelay $0x4  }
0xde: {  	[tilespmem:v18+s18+$0x0] =	vst.idx.msk $0xffff, v17  }
0xdf: {  	s1 =	sadd.s32 $0x7, s29;
	v18 =	vadd.s32 v14, v19;
	v17 =	vld [tilespmem:s28+$0xFFFFFFD0]  }
0xe0: {  	v19 =	vmov s1  }
0xe1: {  	v19 =	vshrl.u32 v19, $0x3  }
0xe2: {  	v19 =	vshll.u32 v19, v1  }
0xe3: {  	v19 =	vbroadcast v19, $0x0  }
0xe4: {  	[tilespmem:v18+s18+$0x0] =	vst.idx.msk $0xffff, v17  }
0xe5: {  	v18 =	vadd.s32 v15, v19;
	v17 =	vld [tilespmem:s28+$0xFFFFFFE0];
	_ =	sdelay $0x4  }
0xe6: {  	[tilespmem:v18+s18+$0x0] =	vst.idx.msk $0xffff, v17  }
0xe7: {  	s1 =	sadd.s32 $0x8, s29;
	v18 =	vadd.s32 v16, v19;
	v17 =	vld [tilespmem:s28+$0xFFFFFFF0]  }
0xe8: {  	v19 =	vmov s1  }
0xe9: {  	v19 =	vshrl.u32 v19, $0x3  }
0xea: {  	v19 =	vshll.u32 v19, v1  }
0xeb: {  	v19 =	vbroadcast v19, $0x0  }
0xec: {  	[tilespmem:v18+s18+$0x0] =	vst.idx.msk $0xffff, v17  }
0xed: {  	v18 =	vadd.s32 v0, v19;
	v17 =	vld [tilespmem:s28+$0x0];
	_ =	sdelay $0x4  }
0xee: {  	[tilespmem:v18+s18+$0x0] =	vst.idx.msk $0xffff, v17  }
0xef: {  	s1 =	sadd.s32 $0x9, s29;
	v18 =	vadd.s32 v2, v19;
	v17 =	vld [tilespmem:s28+$0x10]  }
0xf0: {  	v19 =	vmov s1  }
0xf1: {  	v19 =	vshrl.u32 v19, $0x3  }
0xf2: {  	v19 =	vshll.u32 v19, v1  }
0xf3: {  	v19 =	vbroadcast v19, $0x0  }
0xf4: {  	[tilespmem:v18+s18+$0x0] =	vst.idx.msk $0xffff, v17  }
0xf5: {  	v18 =	vadd.s32 v3, v19;
	v17 =	vld [tilespmem:s28+$0x20];
	_ =	sdelay $0x4  }
0xf6: {  	[tilespmem:v18+s18+$0x0] =	vst.idx.msk $0xffff, v17  }
0xf7: {  	s1 =	sadd.s32 $0xA, s29;
	v18 =	vadd.s32 v4, v19;
	v17 =	vld [tilespmem:s28+$0x30]  }
0xf8: {  	v19 =	vmov s1  }
0xf9: {  	v19 =	vshrl.u32 v19, $0x3  }
0xfa: {  	v19 =	vshll.u32 v19, v1  }
0xfb: {  	v19 =	vbroadcast v19, $0x0  }
0xfc: {  	[tilespmem:v18+s18+$0x0] =	vst.idx.msk $0xffff, v17  }
0xfd: {  	v18 =	vadd.s32 v5, v19;
	v17 =	vld [tilespmem:s28+$0x40];
	_ =	sdelay $0x4  }
0xfe: {  	[tilespmem:v18+s18+$0x0] =	vst.idx.msk $0xffff, v17  }
0xff: {  	s1 =	sadd.s32 $0xB, s29;
	v18 =	vadd.s32 v6, v19;
	v17 =	vld [tilespmem:s28+$0x50]  }
0x100: {  	v19 =	vmov s1  }
0x101: {  	v19 =	vshrl.u32 v19, $0x3  }
0x102: {  	v19 =	vshll.u32 v19, v1  }
0x103: {  	v19 =	vbroadcast v19, $0x0  }
0x104: {  	[tilespmem:v18+s18+$0x0] =	vst.idx.msk $0xffff, v17  }
0x105: {  	v18 =	vadd.s32 v7, v19;
	v17 =	vld [tilespmem:s28+$0x60];
	_ =	sdelay $0x4  }
0x106: {  	[tilespmem:v18+s18+$0x0] =	vst.idx.msk $0xffff, v17  }
0x107: {  	s1 =	sadd.s32 $0xC, s29;
	v18 =	vadd.s32 v8, v19;
	v17 =	vld [tilespmem:s28+$0x70]  }
0x108: {  	v19 =	vmov s1  }
0x109: {  	v19 =	vshrl.u32 v19, $0x3  }
0x10a: {  	v19 =	vshll.u32 v19, v1  }
0x10b: {  	v19 =	vbroadcast v19, $0x0  }
0x10c: {  	[tilespmem:v18+s18+$0x0] =	vst.idx.msk $0xffff, v17  }
0x10d: {  	v18 =	vadd.s32 v9, v19;
	v17 =	vld [tilespmem:s28+$0x80];
	_ =	sdelay $0x4  }
0x10e: {  	[tilespmem:v18+s18+$0x0] =	vst.idx.msk $0xffff, v17  }
0x10f: {  	s1 =	sadd.s32 $0xD, s29;
	v18 =	vadd.s32 v10, v19;
	v17 =	vld [tilespmem:s28+$0x90]  }
0x110: {  	v19 =	vmov s1  }
0x111: {  	v19 =	vshrl.u32 v19, $0x3  }
0x112: {  	v19 =	vshll.u32 v19, v1  }
0x113: {  	v19 =	vbroadcast v19, $0x0  }
0x114: {  	[tilespmem:v18+s18+$0x0] =	vst.idx.msk $0xffff, v17  }
0x115: {  	v18 =	vadd.s32 v11, v19;
	v17 =	vld [tilespmem:s28+$0xA0];
	_ =	sdelay $0x4  }
0x116: {  	[tilespmem:v18+s18+$0x0] =	vst.idx.msk $0xffff, v17  }
0x117: {  	s1 =	sadd.s32 $0xE, s29;
	v18 =	vadd.s32 v12, v19;
	v17 =	vld [tilespmem:s28+$0xB0]  }
0x118: {  	v19 =	vmov s1  }
0x119: {  	v19 =	vshrl.u32 v19, $0x3  }
0x11a: {  	v19 =	vshll.u32 v19, v1  }
0x11b: {  	v19 =	vbroadcast v19, $0x0  }
0x11c: {  	[tilespmem:v18+s18+$0x0] =	vst.idx.msk $0xffff, v17  }
0x11d: {  	v18 =	vadd.s32 v13, v19;
	v17 =	vld [tilespmem:s28+$0xC0];
	_ =	sdelay $0x4  }
0x11e: {  	[tilespmem:v18+s18+$0x0] =	vst.idx.msk $0xffff, v17  }
0x11f: {  	s1 =	sadd.s32 $0xF, s29;
	s29 =	smov.u32 s30;
	v18 =	vadd.s32 v14, v19;
	v17 =	vld [tilespmem:s28+$0xD0]  }
0x120: {  	v19 =	vmov s1  }
0x121: {  	v19 =	vshrl.u32 v19, $0x3  }
0x122: {  	v19 =	vshll.u32 v19, v1  }
0x123: {  	v19 =	vbroadcast v19, $0x0  }
0x124: {  	[tilespmem:v18+s18+$0x0] =	vst.idx.msk $0xffff, v17  }
0x125: {  	v18 =	vadd.s32 v15, v19;
	v17 =	vld [tilespmem:s28+$0xE0];
	_ =	sdelay $0x2  }
.Ltmp0:
0x126: {  	(pc) =	sbr.rel @p1 .LBB2_3-.Ltmp0, $4  }
0x127: {  	_ = 	snop  }
0x128: {  	[tilespmem:v18+s18+$0x0] =	vst.idx.msk $0xffff, v17  }
0x129: {  	v18 =	vadd.s32 v16, v19;
	v17 =	vld [tilespmem:s28+$0xF0]  }
0x12a: {  	s30 =	sadd.s32 $0x10, s30;
	v19 =	vmov s29  }
0x12b: {  	_ = 	snop  }
0x12c: {  	v19 =	vshrl.u32 v19, $0x3  }
0x12d: {  	v19 =	vshll.u32 v19, v1  }
0x12e: {  	v19 =	vbroadcast v19, $0x0  }
0x12f: {  	s28 =	sadd.s32 $0x200, s28;
	[tilespmem:v18+s18+$0x0] =	vst.idx.msk $0xffff, v17  }
0x130: {  	v17 =	vld [tilespmem:s28+$0xFFFFFF00];
	v18 =	vadd.s32 v0, v19;
	_ =	sdelay $0x4  }
0x131: {  	[tilespmem:v18+s18+$0x0] =	vst.idx.msk $0xffff, v17  }
0x132: {  	s1 =	sadd.s32 $0x1, s29;
	v18 =	vadd.s32 v2, v19;
	v17 =	vld [tilespmem:s28+$0xFFFFFF10]  }
0x133: {  	v19 =	vmov s1  }
0x134: {  	v19 =	vshrl.u32 v19, $0x3  }
0x135: {  	v19 =	vshll.u32 v19, v1  }
0x136: {  	v19 =	vbroadcast v19, $0x0  }
0x137: {  	[tilespmem:v18+s18+$0x0] =	vst.idx.msk $0xffff, v17  }
0x138: {  	v18 =	vadd.s32 v3, v19;
	v17 =	vld [tilespmem:s28+$0xFFFFFF20];
	_ =	sdelay $0x4  }
0x139: {  	[tilespmem:v18+s18+$0x0] =	vst.idx.msk $0xffff, v17  }
0x13a: {  	s30 =	sadd.s32 $0x2, s29;
	v18 =	vadd.s32 v4, v19;
	v17 =	vld [tilespmem:s28+$0xFFFFFF30]  }
0x13b: {  	v19 =	vmov s30  }
0x13c: {  	v19 =	vshrl.u32 v19, $0x3  }
0x13d: {  	v19 =	vshll.u32 v19, v1  }
0x13e: {  	v19 =	vbroadcast v19, $0x0  }
0x13f: {  	[tilespmem:v18+s18+$0x0] =	vst.idx.msk $0xffff, v17  }
0x140: {  	v18 =	vadd.s32 v5, v19;
	v17 =	vld [tilespmem:s28+$0xFFFFFF40];
	_ =	sdelay $0x4  }
0x141: {  	[tilespmem:v18+s18+$0x0] =	vst.idx.msk $0xffff, v17  }
0x142: {  	s30 =	sadd.s32 $0x3, s29;
	v18 =	vadd.s32 v6, v19;
	v17 =	vld [tilespmem:s28+$0xFFFFFF50]  }
0x143: {  	v19 =	vmov s30  }
0x144: {  	v19 =	vshrl.u32 v19, $0x3  }
0x145: {  	v19 =	vshll.u32 v19, v1  }
0x146: {  	v19 =	vbroadcast v19, $0x0  }
0x147: {  	[tilespmem:v18+s18+$0x0] =	vst.idx.msk $0xffff, v17  }
0x148: {  	v18 =	vadd.s32 v7, v19;
	v17 =	vld [tilespmem:s28+$0xFFFFFF60];
	_ =	sdelay $0x4  }
0x149: {  	[tilespmem:v18+s18+$0x0] =	vst.idx.msk $0xffff, v17  }
0x14a: {  	s30 =	sadd.s32 $0x4, s29;
	v18 =	vadd.s32 v8, v19;
	v17 =	vld [tilespmem:s28+$0xFFFFFF70]  }
0x14b: {  	v19 =	vmov s30  }
0x14c: {  	v19 =	vshrl.u32 v19, $0x3  }
0x14d: {  	v19 =	vshll.u32 v19, v1  }
0x14e: {  	v19 =	vbroadcast v19, $0x0  }
0x14f: {  	[tilespmem:v18+s18+$0x0] =	vst.idx.msk $0xffff, v17  }
0x150: {  	v18 =	vadd.s32 v9, v19;
	v17 =	vld [tilespmem:s28+$0xFFFFFF80];
	_ =	sdelay $0x4  }
0x151: {  	[tilespmem:v18+s18+$0x0] =	vst.idx.msk $0xffff, v17  }
0x152: {  	s30 =	sadd.s32 $0x5, s29;
	v18 =	vadd.s32 v10, v19;
	v17 =	vld [tilespmem:s28+$0xFFFFFF90]  }
0x153: {  	v19 =	vmov s30  }
0x154: {  	v19 =	vshrl.u32 v19, $0x3  }
0x155: {  	v19 =	vshll.u32 v19, v1  }
0x156: {  	v19 =	vbroadcast v19, $0x0  }
0x157: {  	[tilespmem:v18+s18+$0x0] =	vst.idx.msk $0xffff, v17  }
0x158: {  	v18 =	vadd.s32 v11, v19;
	v17 =	vld [tilespmem:s28+$0xFFFFFFA0];
	_ =	sdelay $0x4  }
0x159: {  	[tilespmem:v18+s18+$0x0] =	vst.idx.msk $0xffff, v17  }
0x15a: {  	s30 =	sadd.s32 $0x6, s29;
	v18 =	vadd.s32 v12, v19;
	v17 =	vld [tilespmem:s28+$0xFFFFFFB0]  }
0x15b: {  	v19 =	vmov s30  }
0x15c: {  	v19 =	vshrl.u32 v19, $0x3  }
0x15d: {  	v19 =	vshll.u32 v19, v1  }
0x15e: {  	v19 =	vbroadcast v19, $0x0  }
0x15f: {  	[tilespmem:v18+s18+$0x0] =	vst.idx.msk $0xffff, v17  }
0x160: {  	v18 =	vadd.s32 v13, v19;
	v17 =	vld [tilespmem:s28+$0xFFFFFFC0];
	_ =	sdelay $0x4  }
0x161: {  	[tilespmem:v18+s18+$0x0] =	vst.idx.msk $0xffff, v17  }
0x162: {  	s30 =	sadd.s32 $0x7, s29;
	v18 =	vadd.s32 v14, v19;
	v17 =	vld [tilespmem:s28+$0xFFFFFFD0]  }
0x163: {  	v19 =	vmov s30  }
0x164: {  	v19 =	vshrl.u32 v19, $0x3  }
0x165: {  	v19 =	vshll.u32 v19, v1  }
0x166: {  	v19 =	vbroadcast v19, $0x0  }
0x167: {  	[tilespmem:v18+s18+$0x0] =	vst.idx.msk $0xffff, v17  }
0x168: {  	v18 =	vadd.s32 v15, v19;
	v17 =	vld [tilespmem:s28+$0xFFFFFFE0];
	_ =	sdelay $0x4  }
0x169: {  	[tilespmem:v18+s18+$0x0] =	vst.idx.msk $0xffff, v17  }
0x16a: {  	s30 =	sadd.s32 $0x8, s29;
	v18 =	vadd.s32 v16, v19;
	v17 =	vld [tilespmem:s28+$0xFFFFFFF0]  }
0x16b: {  	v19 =	vmov s30  }
0x16c: {  	v19 =	vshrl.u32 v19, $0x3  }
0x16d: {  	v19 =	vshll.u32 v19, v1  }
0x16e: {  	v19 =	vbroadcast v19, $0x0  }
0x16f: {  	[tilespmem:v18+s18+$0x0] =	vst.idx.msk $0xffff, v17  }
0x170: {  	v18 =	vadd.s32 v0, v19;
	v17 =	vld [tilespmem:s28+$0x0];
	_ =	sdelay $0x4  }
0x171: {  	[tilespmem:v18+s18+$0x0] =	vst.idx.msk $0xffff, v17  }
0x172: {  	s30 =	sadd.s32 $0x9, s29;
	v18 =	vadd.s32 v2, v19;
	v17 =	vld [tilespmem:s28+$0x10]  }
0x173: {  	v19 =	vmov s30  }
0x174: {  	v19 =	vshrl.u32 v19, $0x3  }
0x175: {  	v19 =	vshll.u32 v19, v1  }
0x176: {  	v19 =	vbroadcast v19, $0x0  }
0x177: {  	[tilespmem:v18+s18+$0x0] =	vst.idx.msk $0xffff, v17  }
0x178: {  	v18 =	vadd.s32 v3, v19;
	v17 =	vld [tilespmem:s28+$0x20];
	_ =	sdelay $0x4  }
0x179: {  	[tilespmem:v18+s18+$0x0] =	vst.idx.msk $0xffff, v17  }
0x17a: {  	s30 =	sadd.s32 $0xA, s29;
	v18 =	vadd.s32 v4, v19;
	v17 =	vld [tilespmem:s28+$0x30]  }
0x17b: {  	v19 =	vmov s30  }
0x17c: {  	v19 =	vshrl.u32 v19, $0x3  }
0x17d: {  	v19 =	vshll.u32 v19, v1  }
0x17e: {  	v19 =	vbroadcast v19, $0x0  }
0x17f: {  	[tilespmem:v18+s18+$0x0] =	vst.idx.msk $0xffff, v17  }
0x180: {  	v18 =	vadd.s32 v5, v19;
	v17 =	vld [tilespmem:s28+$0x40];
	_ =	sdelay $0x4  }
0x181: {  	[tilespmem:v18+s18+$0x0] =	vst.idx.msk $0xffff, v17  }
0x182: {  	s30 =	sadd.s32 $0xB, s29;
	v18 =	vadd.s32 v6, v19;
	v17 =	vld [tilespmem:s28+$0x50]  }
0x183: {  	v19 =	vmov s30  }
0x184: {  	v19 =	vshrl.u32 v19, $0x3  }
0x185: {  	v19 =	vshll.u32 v19, v1  }
0x186: {  	v19 =	vbroadcast v19, $0x0  }
0x187: {  	[tilespmem:v18+s18+$0x0] =	vst.idx.msk $0xffff, v17  }
0x188: {  	v18 =	vadd.s32 v7, v19;
	v17 =	vld [tilespmem:s28+$0x60];
	_ =	sdelay $0x4  }
0x189: {  	[tilespmem:v18+s18+$0x0] =	vst.idx.msk $0xffff, v17  }
0x18a: {  	s30 =	sadd.s32 $0xC, s29;
	v18 =	vadd.s32 v8, v19;
	v17 =	vld [tilespmem:s28+$0x70]  }
0x18b: {  	v19 =	vmov s30  }
0x18c: {  	v19 =	vshrl.u32 v19, $0x3  }
0x18d: {  	v19 =	vshll.u32 v19, v1  }
0x18e: {  	v19 =	vbroadcast v19, $0x0  }
0x18f: {  	[tilespmem:v18+s18+$0x0] =	vst.idx.msk $0xffff, v17  }
0x190: {  	v18 =	vadd.s32 v9, v19;
	v17 =	vld [tilespmem:s28+$0x80];
	_ =	sdelay $0x4  }
0x191: {  	[tilespmem:v18+s18+$0x0] =	vst.idx.msk $0xffff, v17  }
0x192: {  	s30 =	sadd.s32 $0xD, s29;
	v18 =	vadd.s32 v10, v19;
	v17 =	vld [tilespmem:s28+$0x90]  }
0x193: {  	v19 =	vmov s30  }
0x194: {  	v19 =	vshrl.u32 v19, $0x3  }
0x195: {  	v19 =	vshll.u32 v19, v1  }
0x196: {  	v19 =	vbroadcast v19, $0x0  }
0x197: {  	[tilespmem:v18+s18+$0x0] =	vst.idx.msk $0xffff, v17  }
0x198: {  	v18 =	vadd.s32 v11, v19;
	v17 =	vld [tilespmem:s28+$0xA0];
	_ =	sdelay $0x4  }
0x199: {  	[tilespmem:v18+s18+$0x0] =	vst.idx.msk $0xffff, v17  }
0x19a: {  	s30 =	sadd.s32 $0xE, s29;
	v18 =	vadd.s32 v12, v19;
	v17 =	vld [tilespmem:s28+$0xB0]  }
0x19b: {  	v19 =	vmov s30  }
0x19c: {  	v19 =	vshrl.u32 v19, $0x3  }
0x19d: {  	v19 =	vshll.u32 v19, v1  }
0x19e: {  	v19 =	vbroadcast v19, $0x0  }
0x19f: {  	[tilespmem:v18+s18+$0x0] =	vst.idx.msk $0xffff, v17  }
0x1a0: {  	v18 =	vadd.s32 v13, v19;
	v17 =	vld [tilespmem:s28+$0xC0];
	_ =	sdelay $0x4  }
0x1a1: {  	[tilespmem:v18+s18+$0x0] =	vst.idx.msk $0xffff, v17  }
0x1a2: {  	s30 =	sadd.s32 $0xF, s29;
	v18 =	vadd.s32 v14, v19;
	v17 =	vld [tilespmem:s28+$0xD0]  }
0x1a3: {  	v19 =	vmov s30  }
0x1a4: {  	v19 =	vshrl.u32 v19, $0x3  }
0x1a5: {  	v19 =	vshll.u32 v19, v1  }
0x1a6: {  	v19 =	vbroadcast v19, $0x0  }
0x1a7: {  	[tilespmem:v18+s18+$0x0] =	vst.idx.msk $0xffff, v17  }
0x1a8: {  	v18 =	vadd.s32 v15, v19;
	v17 =	vld [tilespmem:s28+$0xE0];
	_ =	sdelay $0x4  }
0x1a9: {  	[tilespmem:v18+s18+$0x0] =	vst.idx.msk $0xffff, v17  }
0x1aa: {  	v18 =	vadd.s32 v16, v19;
	v17 =	vld [tilespmem:s28+$0xF0];
	_ =	sdelay $0x1  }
0x1ab: {  	s30 =	sshll.u32 s25, $0x12  }
0x1ac: {  	s1 =	sor.u32 s4, s30  }
0x1ad: {  	s1 =	sshrl.u32 s1, $0x3  }
0x1ae: {  	s28 =	sadd.s32 s2, s1;
	[tilespmem:v18+s18+$0x0] =	vst.idx.msk $0xffff, v17  }
0x1af: {  	[hbm4b:s28+s3] =	stream.linear.scatter [tilespmem:s18], [sflag:$0x3], $0x80, $0x38;
	[tilespmem:$0xA600] =	vst v63  }
0x1b0: {  	s30 =	simm.s32 $0x8488;
	s29 =	sadd.s32 $0x10, s28  }
0x1b1: {  	[hbm4b:s29+s3] =	stream.linear.scatter [tilespmem:s30], [sflag:$0x3], $0x80, $0x38;
	[tilespmem:$0xA600] =	vst v63  }
0x1b2: {  	s29 =	sadd.s32 $0x20, s28;
	s30 =	simm.s32 $0x8510  }
0x1b3: {  	[hbm4b:s29+s3] =	stream.linear.scatter [tilespmem:s30], [sflag:$0x3], $0x80, $0x38;
	[tilespmem:$0xA600] =	vst v63  }
0x1b4: {  	s29 =	sadd.s32 $0x30, s28;
	s30 =	simm.s32 $0x8598  }
0x1b5: {  	[hbm4b:s29+s3] =	stream.linear.scatter [tilespmem:s30], [sflag:$0x3], $0x80, $0x38;
	[tilespmem:$0xA600] =	vst v63  }
0x1b6: {  	s29 =	sadd.s32 $0x40, s28;
	s30 =	simm.s32 $0x8620  }
0x1b7: {  	[hbm4b:s29+s3] =	stream.linear.scatter [tilespmem:s30], [sflag:$0x3], $0x80, $0x38;
	[tilespmem:$0xA600] =	vst v63  }
0x1b8: {  	s29 =	sadd.s32 $0x50, s28;
	s30 =	simm.s32 $0x86A8  }
0x1b9: {  	[hbm4b:s29+s3] =	stream.linear.scatter [tilespmem:s30], [sflag:$0x3], $0x80, $0x38;
	[tilespmem:$0xA600] =	vst v63  }
0x1ba: {  	s29 =	sadd.s32 $0x60, s28;
	s30 =	simm.s32 $0x8730  }
0x1bb: {  	[hbm4b:s29+s3] =	stream.linear.scatter [tilespmem:s30], [sflag:$0x3], $0x80, $0x38;
	[tilespmem:$0xA600] =	vst v63  }
0x1bc: {  	s28 =	sadd.s32 $0x70, s28;
	s29 =	simm.s32 $0x87B8  }
0x1bd: {  	[hbm4b:s28+s3] =	stream.linear.scatter [tilespmem:s29], [sflag:$0x3], $0x80, $0x38;
	[tilespmem:$0xA600] =	vst v63  }
0x1be: {  	s28 =	sadd.s32 s1, s7;
	s29 =	simm.s32 $0x8840  }
0x1bf: {  	[hbm4b:s28+s3] =	stream.linear.scatter [tilespmem:s29], [sflag:$0x3], $0x80, $0x38;
	[tilespmem:$0xA600] =	vst v63  }
0x1c0: {  	s30 =	simm.s32 $0x88C8;
	s29 =	sadd.s32 $0x10, s28  }
0x1c1: {  	[hbm4b:s29+s3] =	stream.linear.scatter [tilespmem:s30], [sflag:$0x3], $0x80, $0x38;
	[tilespmem:$0xA600] =	vst v63  }
0x1c2: {  	s29 =	sadd.s32 $0x20, s28;
	s30 =	simm.s32 $0x8950  }
0x1c3: {  	[hbm4b:s29+s3] =	stream.linear.scatter [tilespmem:s30], [sflag:$0x3], $0x80, $0x38;
	[tilespmem:$0xA600] =	vst v63  }
0x1c4: {  	s29 =	sadd.s32 $0x30, s28;
	s30 =	simm.s32 $0x89D8  }
0x1c5: {  	[hbm4b:s29+s3] =	stream.linear.scatter [tilespmem:s30], [sflag:$0x3], $0x80, $0x38;
	[tilespmem:$0xA600] =	vst v63  }
0x1c6: {  	s29 =	sadd.s32 $0x40, s28;
	s30 =	simm.s32 $0x8A60  }
0x1c7: {  	[hbm4b:s29+s3] =	stream.linear.scatter [tilespmem:s30], [sflag:$0x3], $0x80, $0x38;
	[tilespmem:$0xA600] =	vst v63  }
0x1c8: {  	s29 =	sadd.s32 $0x50, s28;
	s30 =	simm.s32 $0x8AE8  }
0x1c9: {  	[hbm4b:s29+s3] =	stream.linear.scatter [tilespmem:s30], [sflag:$0x3], $0x80, $0x38;
	[tilespmem:$0xA600] =	vst v63  }
0x1ca: {  	s29 =	sadd.s32 $0x60, s28;
	s30 =	simm.s32 $0x8B70  }
0x1cb: {  	[hbm4b:s29+s3] =	stream.linear.scatter [tilespmem:s30], [sflag:$0x3], $0x80, $0x38;
	[tilespmem:$0xA600] =	vst v63  }
0x1cc: {  	s28 =	sadd.s32 $0x70, s28;
	s29 =	simm.s32 $0x8BF8  }
0x1cd: {  	[hbm4b:s28+s3] =	stream.linear.scatter [tilespmem:s29], [sflag:$0x3], $0x80, $0x38;
	[tilespmem:$0xA600] =	vst v63  }
0x1ce: {  	s28 =	sadd.s32 s1, s8;
	s29 =	simm.s32 $0x8C80  }
0x1cf: {  	[hbm4b:s28+s3] =	stream.linear.scatter [tilespmem:s29], [sflag:$0x3], $0x80, $0x38;
	[tilespmem:$0xA600] =	vst v63  }
0x1d0: {  	s30 =	simm.s32 $0x8D08;
	s29 =	sadd.s32 $0x10, s28  }
0x1d1: {  	[hbm4b:s29+s3] =	stream.linear.scatter [tilespmem:s30], [sflag:$0x3], $0x80, $0x38;
	[tilespmem:$0xA600] =	vst v63  }
0x1d2: {  	s29 =	sadd.s32 $0x20, s28;
	s30 =	simm.s32 $0x8D90  }
0x1d3: {  	[hbm4b:s29+s3] =	stream.linear.scatter [tilespmem:s30], [sflag:$0x3], $0x80, $0x38;
	[tilespmem:$0xA600] =	vst v63  }
0x1d4: {  	s29 =	sadd.s32 $0x30, s28;
	s30 =	simm.s32 $0x8E18  }
0x1d5: {  	[hbm4b:s29+s3] =	stream.linear.scatter [tilespmem:s30], [sflag:$0x3], $0x80, $0x38;
	[tilespmem:$0xA600] =	vst v63  }
0x1d6: {  	s29 =	sadd.s32 $0x40, s28;
	s30 =	simm.s32 $0x8EA0  }
0x1d7: {  	[hbm4b:s29+s3] =	stream.linear.scatter [tilespmem:s30], [sflag:$0x3], $0x80, $0x38;
	[tilespmem:$0xA600] =	vst v63  }
0x1d8: {  	s29 =	sadd.s32 $0x50, s28;
	s30 =	simm.s32 $0x8F28  }
0x1d9: {  	[hbm4b:s29+s3] =	stream.linear.scatter [tilespmem:s30], [sflag:$0x3], $0x80, $0x38;
	[tilespmem:$0xA600] =	vst v63  }
0x1da: {  	s29 =	sadd.s32 $0x60, s28;
	s30 =	simm.s32 $0x8FB0  }
0x1db: {  	[hbm4b:s29+s3] =	stream.linear.scatter [tilespmem:s30], [sflag:$0x3], $0x80, $0x38;
	[tilespmem:$0xA600] =	vst v63  }
0x1dc: {  	s28 =	sadd.s32 $0x70, s28;
	s29 =	simm.s32 $0x9038  }
0x1dd: {  	[hbm4b:s28+s3] =	stream.linear.scatter [tilespmem:s29], [sflag:$0x3], $0x80, $0x38;
	[tilespmem:$0xA600] =	vst v63  }
0x1de: {  	s1 =	sadd.s32 s1, s9;
	s28 =	simm.s32 $0x90C0  }
0x1df: {  	[hbm4b:s1+s3] =	stream.linear.scatter [tilespmem:s28], [sflag:$0x3], $0x80, $0x38;
	[tilespmem:$0xA600] =	vst v63  }
0x1e0: {  	s29 =	simm.s32 $0x9148;
	s28 =	sadd.s32 $0x10, s1  }
0x1e1: {  	[hbm4b:s28+s3] =	stream.linear.scatter [tilespmem:s29], [sflag:$0x3], $0x80, $0x38;
	[tilespmem:$0xA600] =	vst v63  }
0x1e2: {  	s28 =	sadd.s32 $0x20, s1;
	s29 =	simm.s32 $0x91D0  }
0x1e3: {  	[hbm4b:s28+s3] =	stream.linear.scatter [tilespmem:s29], [sflag:$0x3], $0x80, $0x38;
	[tilespmem:$0xA600] =	vst v63  }
0x1e4: {  	s28 =	sadd.s32 $0x30, s1;
	s29 =	simm.s32 $0x9258  }
0x1e5: {  	[hbm4b:s28+s3] =	stream.linear.scatter [tilespmem:s29], [sflag:$0x3], $0x80, $0x38;
	[tilespmem:$0xA600] =	vst v63  }
0x1e6: {  	s28 =	sadd.s32 $0x40, s1;
	s29 =	simm.s32 $0x92E0  }
0x1e7: {  	[hbm4b:s28+s3] =	stream.linear.scatter [tilespmem:s29], [sflag:$0x3], $0x80, $0x38;
	[tilespmem:$0xA600] =	vst v63  }
0x1e8: {  	s28 =	sadd.s32 $0x50, s1;
	s29 =	simm.s32 $0x9368  }
0x1e9: {  	[hbm4b:s28+s3] =	stream.linear.scatter [tilespmem:s29], [sflag:$0x3], $0x80, $0x38;
	[tilespmem:$0xA600] =	vst v63  }
0x1ea: {  	s28 =	sadd.s32 $0x60, s1;
	s29 =	simm.s32 $0x93F0  }
0x1eb: {  	[hbm4b:s28+s3] =	stream.linear.scatter [tilespmem:s29], [sflag:$0x3], $0x80, $0x38;
	[tilespmem:$0xA600] =	vst v63  }
0x1ec: {  	s26 =	smin.u32 s26, $0xC5;
	s1 =	sadd.s32 $0x70, s1;
	s28 =	simm.s32 $0x9478  }
0x1ed: {  	[hbm4b:s1+s3] =	stream.linear.scatter [tilespmem:s28], [sflag:$0x3], $0x80, $0x38;
	[tilespmem:$0xA600] =	vst v63  }
0x1ee: {  	s1 =	sshll.u32 s26, $0x7  }
0x1ef: {  	s30 =	simm.s32 $0x6400;
	s1 =	sadd.s32 $0x100, s1  }
0x1f0: {  	[tilespmem:s30], [sflag:$0x1] =	stream.indirect.gather [hbm4b:s5+s14], $0x20, s1, s14, $0xb8;
	[tilespmem:$0xA600] =	vst v63  }
0x1f1: {  	_ =	swait.ge [sflag:s31], $0x1000  }
0x1f2: {  	[sflag:s31] =	ssyncset.done $0x0  }
0x1f3: {  	s1 =	simm.s32 @!p0 $0x4;
	[sflag:s31] =	ssyncadd.s32 $0xFFFFF000  }
0x1f4: {  	_ =	swait.ge @!p0 [sflag:s1], $0x400  }
0x1f5: {  	[sflag:s1] =	ssyncset.done @!p0 $0x0  }
0x1f6: {  	[sflag:s1] =	ssyncadd.s32 @!p0 $0xFFFFFC00  }
0x1f7: {  	_ =	swait.ge @!p0 [sflag:s1], $0x400  }
0x1f8: {  	[sflag:s1] =	ssyncset.done @!p0 $0x0  }
0x1f9: {  	[sflag:s1] =	ssyncadd.s32 @!p0 $0xFFFFFC00  }
0x1fa: {  	s30 =	simm.s32 $0x0;
	_ =	swait.ge @!p0 [sflag:s1], $0x400  }
0x1fb: {  	v17 =	vmov s30;
	[sflag:s1] =	ssyncset.done @!p0 $0x0  }
0x1fc: {  	v17 =	vshrl.u32 v17, $0x3;
	[sflag:s1] =	ssyncadd.s32 @!p0 $0xFFFFFC00  }
0x1fd: {  	v17 =	vshll.u32 v17, v1;
	_ =	swait.ge @!p0 [sflag:s1], $0x400  }
0x1fe: {  	v17 =	vbroadcast v17, $0x0;
	[sflag:s1] =	ssyncset.done @!p0 $0x0  }
0x1ff: {  	s26 =	simm.s32 $0x7500;
	[sflag:s1] =	ssyncadd.s32 @!p0 $0xFFFFFC00  }
0x200: {  	v19 =	vadd.s32 v0, v17;
	v18 =	vld [tilespmem:s26+$0xFFFFFF00];
	_ =	sdelay $0x4  }
0x201: {  	[tilespmem:v19+s0+$0x0] =	vst.idx.msk $0xffff, v18  }
0x202: {  	s30 =	simm.s32 $0x1;
	v17 =	vadd.s32 v2, v17;
	v18 =	vld [tilespmem:s26+$0xFFFFFF10]  }
0x203: {  	v19 =	vmov s30  }
0x204: {  	v19 =	vshrl.u32 v19, $0x3  }
0x205: {  	v19 =	vshll.u32 v19, v1  }
0x206: {  	v19 =	vbroadcast v19, $0x0  }
0x207: {  	[tilespmem:v17+s0+$0x0] =	vst.idx.msk $0xffff, v18  }
0x208: {  	v18 =	vadd.s32 v3, v19;
	v17 =	vld [tilespmem:s26+$0xFFFFFF20];
	_ =	sdelay $0x4  }
0x209: {  	[tilespmem:v18+s0+$0x0] =	vst.idx.msk $0xffff, v17  }
0x20a: {  	s30 =	simm.s32 $0x2;
	v18 =	vadd.s32 v4, v19;
	v17 =	vld [tilespmem:s26+$0xFFFFFF30]  }
0x20b: {  	v19 =	vmov s30  }
0x20c: {  	v19 =	vshrl.u32 v19, $0x3  }
0x20d: {  	v19 =	vshll.u32 v19, v1  }
0x20e: {  	v19 =	vbroadcast v19, $0x0  }
0x20f: {  	[tilespmem:v18+s0+$0x0] =	vst.idx.msk $0xffff, v17  }
0x210: {  	v18 =	vadd.s32 v5, v19;
	v17 =	vld [tilespmem:s26+$0xFFFFFF40];
	_ =	sdelay $0x4  }
0x211: {  	[tilespmem:v18+s0+$0x0] =	vst.idx.msk $0xffff, v17  }
0x212: {  	s30 =	simm.s32 $0x3;
	v18 =	vadd.s32 v6, v19;
	v17 =	vld [tilespmem:s26+$0xFFFFFF50]  }
0x213: {  	v19 =	vmov s30  }
0x214: {  	v19 =	vshrl.u32 v19, $0x3  }
0x215: {  	v19 =	vshll.u32 v19, v1  }
0x216: {  	v19 =	vbroadcast v19, $0x0  }
0x217: {  	[tilespmem:v18+s0+$0x0] =	vst.idx.msk $0xffff, v17  }
0x218: {  	v18 =	vadd.s32 v7, v19;
	v17 =	vld [tilespmem:s26+$0xFFFFFF60];
	_ =	sdelay $0x4  }
0x219: {  	[tilespmem:v18+s0+$0x0] =	vst.idx.msk $0xffff, v17  }
0x21a: {  	s30 =	simm.s32 $0x4;
	v18 =	vadd.s32 v8, v19;
	v17 =	vld [tilespmem:s26+$0xFFFFFF70]  }
0x21b: {  	v19 =	vmov s30  }
0x21c: {  	v19 =	vshrl.u32 v19, $0x3  }
0x21d: {  	v19 =	vshll.u32 v19, v1  }
0x21e: {  	v19 =	vbroadcast v19, $0x0  }
0x21f: {  	[tilespmem:v18+s0+$0x0] =	vst.idx.msk $0xffff, v17  }
0x220: {  	v18 =	vadd.s32 v9, v19;
	v17 =	vld [tilespmem:s26+$0xFFFFFF80];
	_ =	sdelay $0x4  }
0x221: {  	[tilespmem:v18+s0+$0x0] =	vst.idx.msk $0xffff, v17  }
0x222: {  	s30 =	simm.s32 $0x5;
	v18 =	vadd.s32 v10, v19;
	v17 =	vld [tilespmem:s26+$0xFFFFFF90]  }
0x223: {  	v19 =	vmov s30  }
0x224: {  	v19 =	vshrl.u32 v19, $0x3  }
0x225: {  	v19 =	vshll.u32 v19, v1  }
0x226: {  	v19 =	vbroadcast v19, $0x0  }
0x227: {  	[tilespmem:v18+s0+$0x0] =	vst.idx.msk $0xffff, v17  }
0x228: {  	v18 =	vadd.s32 v11, v19;
	v17 =	vld [tilespmem:s26+$0xFFFFFFA0];
	_ =	sdelay $0x4  }
0x229: {  	[tilespmem:v18+s0+$0x0] =	vst.idx.msk $0xffff, v17  }
0x22a: {  	s30 =	simm.s32 $0x6;
	v18 =	vadd.s32 v12, v19;
	v17 =	vld [tilespmem:s26+$0xFFFFFFB0]  }
0x22b: {  	v19 =	vmov s30  }
0x22c: {  	v19 =	vshrl.u32 v19, $0x3  }
0x22d: {  	v19 =	vshll.u32 v19, v1  }
0x22e: {  	v19 =	vbroadcast v19, $0x0  }
0x22f: {  	[tilespmem:v18+s0+$0x0] =	vst.idx.msk $0xffff, v17  }
0x230: {  	v18 =	vadd.s32 v13, v19;
	v17 =	vld [tilespmem:s26+$0xFFFFFFC0];
	_ =	sdelay $0x4  }
0x231: {  	[tilespmem:v18+s0+$0x0] =	vst.idx.msk $0xffff, v17  }
0x232: {  	s30 =	simm.s32 $0x7;
	v18 =	vadd.s32 v14, v19;
	v17 =	vld [tilespmem:s26+$0xFFFFFFD0]  }
0x233: {  	v19 =	vmov s30  }
0x234: {  	v19 =	vshrl.u32 v19, $0x3  }
0x235: {  	v19 =	vshll.u32 v19, v1  }
0x236: {  	v19 =	vbroadcast v19, $0x0  }
0x237: {  	[tilespmem:v18+s0+$0x0] =	vst.idx.msk $0xffff, v17  }
0x238: {  	v18 =	vadd.s32 v15, v19;
	v17 =	vld [tilespmem:s26+$0xFFFFFFE0];
	_ =	sdelay $0x4  }
0x239: {  	[tilespmem:v18+s0+$0x0] =	vst.idx.msk $0xffff, v17  }
0x23a: {  	s30 =	simm.s32 $0x8;
	v18 =	vadd.s32 v16, v19;
	v17 =	vld [tilespmem:s26+$0xFFFFFFF0]  }
0x23b: {  	v19 =	vmov s30  }
0x23c: {  	v19 =	vshrl.u32 v19, $0x3  }
0x23d: {  	v19 =	vshll.u32 v19, v1  }
0x23e: {  	v19 =	vbroadcast v19, $0x0  }
0x23f: {  	[tilespmem:v18+s0+$0x0] =	vst.idx.msk $0xffff, v17  }
0x240: {  	v18 =	vadd.s32 v0, v19;
	v17 =	vld [tilespmem:s26+$0x0];
	_ =	sdelay $0x4  }
0x241: {  	[tilespmem:v18+s0+$0x0] =	vst.idx.msk $0xffff, v17  }
0x242: {  	s30 =	simm.s32 $0x9;
	v18 =	vadd.s32 v2, v19;
	v17 =	vld [tilespmem:s26+$0x10]  }
0x243: {  	v19 =	vmov s30  }
0x244: {  	v19 =	vshrl.u32 v19, $0x3  }
0x245: {  	v19 =	vshll.u32 v19, v1  }
0x246: {  	v19 =	vbroadcast v19, $0x0  }
0x247: {  	[tilespmem:v18+s0+$0x0] =	vst.idx.msk $0xffff, v17  }
0x248: {  	v18 =	vadd.s32 v3, v19;
	v17 =	vld [tilespmem:s26+$0x20];
	_ =	sdelay $0x4  }
0x249: {  	[tilespmem:v18+s0+$0x0] =	vst.idx.msk $0xffff, v17  }
0x24a: {  	s30 =	simm.s32 $0xA;
	v18 =	vadd.s32 v4, v19;
	v17 =	vld [tilespmem:s26+$0x30]  }
0x24b: {  	v19 =	vmov s30  }
0x24c: {  	v19 =	vshrl.u32 v19, $0x3  }
0x24d: {  	v19 =	vshll.u32 v19, v1  }
0x24e: {  	v19 =	vbroadcast v19, $0x0  }
0x24f: {  	[tilespmem:v18+s0+$0x0] =	vst.idx.msk $0xffff, v17  }
0x250: {  	v18 =	vadd.s32 v5, v19;
	v17 =	vld [tilespmem:s26+$0x40];
	_ =	sdelay $0x4  }
0x251: {  	[tilespmem:v18+s0+$0x0] =	vst.idx.msk $0xffff, v17  }
0x252: {  	s30 =	simm.s32 $0xB;
	v18 =	vadd.s32 v6, v19;
	v17 =	vld [tilespmem:s26+$0x50]  }
0x253: {  	v19 =	vmov s30  }
0x254: {  	v19 =	vshrl.u32 v19, $0x3  }
0x255: {  	v19 =	vshll.u32 v19, v1  }
0x256: {  	v19 =	vbroadcast v19, $0x0  }
0x257: {  	[tilespmem:v18+s0+$0x0] =	vst.idx.msk $0xffff, v17  }
0x258: {  	v18 =	vadd.s32 v7, v19;
	v17 =	vld [tilespmem:s26+$0x60];
	_ =	sdelay $0x4  }
0x259: {  	[tilespmem:v18+s0+$0x0] =	vst.idx.msk $0xffff, v17  }
0x25a: {  	s30 =	simm.s32 $0xC;
	v18 =	vadd.s32 v8, v19;
	v17 =	vld [tilespmem:s26+$0x70]  }
0x25b: {  	v19 =	vmov s30  }
0x25c: {  	v19 =	vshrl.u32 v19, $0x3  }
0x25d: {  	v19 =	vshll.u32 v19, v1  }
0x25e: {  	v19 =	vbroadcast v19, $0x0  }
0x25f: {  	[tilespmem:v18+s0+$0x0] =	vst.idx.msk $0xffff, v17  }
0x260: {  	v18 =	vadd.s32 v9, v19;
	v17 =	vld [tilespmem:s26+$0x80];
	_ =	sdelay $0x4  }
0x261: {  	[tilespmem:v18+s0+$0x0] =	vst.idx.msk $0xffff, v17  }
0x262: {  	s30 =	simm.s32 $0xD;
	v18 =	vadd.s32 v10, v19;
	v17 =	vld [tilespmem:s26+$0x90]  }
0x263: {  	v19 =	vmov s30  }
0x264: {  	v19 =	vshrl.u32 v19, $0x3  }
0x265: {  	v19 =	vshll.u32 v19, v1  }
0x266: {  	v19 =	vbroadcast v19, $0x0  }
0x267: {  	[tilespmem:v18+s0+$0x0] =	vst.idx.msk $0xffff, v17  }
0x268: {  	v18 =	vadd.s32 v11, v19;
	v17 =	vld [tilespmem:s26+$0xA0];
	_ =	sdelay $0x4  }
0x269: {  	[tilespmem:v18+s0+$0x0] =	vst.idx.msk $0xffff, v17  }
0x26a: {  	s30 =	simm.s32 $0xE;
	v18 =	vadd.s32 v12, v19;
	v17 =	vld [tilespmem:s26+$0xB0]  }
0x26b: {  	v19 =	vmov s30  }
0x26c: {  	v19 =	vshrl.u32 v19, $0x3  }
0x26d: {  	v19 =	vshll.u32 v19, v1  }
0x26e: {  	v19 =	vbroadcast v19, $0x0  }
0x26f: {  	[tilespmem:v18+s0+$0x0] =	vst.idx.msk $0xffff, v17  }
0x270: {  	v18 =	vadd.s32 v13, v19;
	v17 =	vld [tilespmem:s26+$0xC0];
	_ =	sdelay $0x4  }
0x271: {  	[tilespmem:v18+s0+$0x0] =	vst.idx.msk $0xffff, v17  }
0x272: {  	s30 =	simm.s32 $0xF;
	v18 =	vadd.s32 v14, v19;
	v17 =	vld [tilespmem:s26+$0xD0]  }
0x273: {  	v19 =	vmov s30  }
0x274: {  	v19 =	vshrl.u32 v19, $0x3  }
0x275: {  	v19 =	vshll.u32 v19, v1  }
0x276: {  	v19 =	vbroadcast v19, $0x0  }
0x277: {  	[tilespmem:v18+s0+$0x0] =	vst.idx.msk $0xffff, v17  }
0x278: {  	v18 =	vadd.s32 v15, v19;
	v17 =	vld [tilespmem:s26+$0xE0];
	_ =	sdelay $0x4  }
0x279: {  	[tilespmem:v18+s0+$0x0] =	vst.idx.msk $0xffff, v17  }
0x27a: {  	s28 =	simm.s32 $0x10;
	v18 =	vadd.s32 v16, v19;
	v17 =	vld [tilespmem:s26+$0xF0]  }
0x27b: {  	s29 =	simm.s32 $0x20;
	v19 =	vmov s28  }
.LBB2_5:
0x27c: {  	p0 =	slt.u32 s29, $0x70;
	v19 =	vshrl.u32 v19, $0x3  }
0x27d: {  	v19 =	vshll.u32 v19, v1  }
0x27e: {  	v19 =	vbroadcast v19, $0x0  }
0x27f: {  	s26 =	sadd.s32 $0x200, s26;
	[tilespmem:v18+s0+$0x0] =	vst.idx.msk $0xffff, v17  }
0x280: {  	v17 =	vld [tilespmem:s26+$0xFFFFFF00];
	v18 =	vadd.s32 v0, v19;
	_ =	sdelay $0x4  }
0x281: {  	[tilespmem:v18+s0+$0x0] =	vst.idx.msk $0xffff, v17  }
0x282: {  	s1 =	sadd.s32 $0x1, s28;
	v18 =	vadd.s32 v2, v19;
	v17 =	vld [tilespmem:s26+$0xFFFFFF10]  }
0x283: {  	v19 =	vmov s1  }
0x284: {  	v19 =	vshrl.u32 v19, $0x3  }
0x285: {  	v19 =	vshll.u32 v19, v1  }
0x286: {  	v19 =	vbroadcast v19, $0x0  }
0x287: {  	[tilespmem:v18+s0+$0x0] =	vst.idx.msk $0xffff, v17  }
0x288: {  	v18 =	vadd.s32 v3, v19;
	v17 =	vld [tilespmem:s26+$0xFFFFFF20];
	_ =	sdelay $0x4  }
0x289: {  	[tilespmem:v18+s0+$0x0] =	vst.idx.msk $0xffff, v17  }
0x28a: {  	s1 =	sadd.s32 $0x2, s28;
	v18 =	vadd.s32 v4, v19;
	v17 =	vld [tilespmem:s26+$0xFFFFFF30]  }
0x28b: {  	v19 =	vmov s1  }
0x28c: {  	v19 =	vshrl.u32 v19, $0x3  }
0x28d: {  	v19 =	vshll.u32 v19, v1  }
0x28e: {  	v19 =	vbroadcast v19, $0x0  }
0x28f: {  	[tilespmem:v18+s0+$0x0] =	vst.idx.msk $0xffff, v17  }
0x290: {  	v18 =	vadd.s32 v5, v19;
	v17 =	vld [tilespmem:s26+$0xFFFFFF40];
	_ =	sdelay $0x4  }
0x291: {  	[tilespmem:v18+s0+$0x0] =	vst.idx.msk $0xffff, v17  }
0x292: {  	s1 =	sadd.s32 $0x3, s28;
	v18 =	vadd.s32 v6, v19;
	v17 =	vld [tilespmem:s26+$0xFFFFFF50]  }
0x293: {  	v19 =	vmov s1  }
0x294: {  	v19 =	vshrl.u32 v19, $0x3  }
0x295: {  	v19 =	vshll.u32 v19, v1  }
0x296: {  	v19 =	vbroadcast v19, $0x0  }
0x297: {  	[tilespmem:v18+s0+$0x0] =	vst.idx.msk $0xffff, v17  }
0x298: {  	v18 =	vadd.s32 v7, v19;
	v17 =	vld [tilespmem:s26+$0xFFFFFF60];
	_ =	sdelay $0x4  }
0x299: {  	[tilespmem:v18+s0+$0x0] =	vst.idx.msk $0xffff, v17  }
0x29a: {  	s1 =	sadd.s32 $0x4, s28;
	v18 =	vadd.s32 v8, v19;
	v17 =	vld [tilespmem:s26+$0xFFFFFF70]  }
0x29b: {  	v19 =	vmov s1  }
0x29c: {  	v19 =	vshrl.u32 v19, $0x3  }
0x29d: {  	v19 =	vshll.u32 v19, v1  }
0x29e: {  	v19 =	vbroadcast v19, $0x0  }
0x29f: {  	[tilespmem:v18+s0+$0x0] =	vst.idx.msk $0xffff, v17  }
0x2a0: {  	v18 =	vadd.s32 v9, v19;
	v17 =	vld [tilespmem:s26+$0xFFFFFF80];
	_ =	sdelay $0x4  }
0x2a1: {  	[tilespmem:v18+s0+$0x0] =	vst.idx.msk $0xffff, v17  }
0x2a2: {  	s1 =	sadd.s32 $0x5, s28;
	v18 =	vadd.s32 v10, v19;
	v17 =	vld [tilespmem:s26+$0xFFFFFF90]  }
0x2a3: {  	v19 =	vmov s1  }
0x2a4: {  	v19 =	vshrl.u32 v19, $0x3  }
0x2a5: {  	v19 =	vshll.u32 v19, v1  }
0x2a6: {  	v19 =	vbroadcast v19, $0x0  }
0x2a7: {  	[tilespmem:v18+s0+$0x0] =	vst.idx.msk $0xffff, v17  }
0x2a8: {  	v18 =	vadd.s32 v11, v19;
	v17 =	vld [tilespmem:s26+$0xFFFFFFA0];
	_ =	sdelay $0x4  }
0x2a9: {  	[tilespmem:v18+s0+$0x0] =	vst.idx.msk $0xffff, v17  }
0x2aa: {  	s1 =	sadd.s32 $0x6, s28;
	v18 =	vadd.s32 v12, v19;
	v17 =	vld [tilespmem:s26+$0xFFFFFFB0]  }
0x2ab: {  	v19 =	vmov s1  }
0x2ac: {  	v19 =	vshrl.u32 v19, $0x3  }
0x2ad: {  	v19 =	vshll.u32 v19, v1  }
0x2ae: {  	v19 =	vbroadcast v19, $0x0  }
0x2af: {  	[tilespmem:v18+s0+$0x0] =	vst.idx.msk $0xffff, v17  }
0x2b0: {  	v18 =	vadd.s32 v13, v19;
	v17 =	vld [tilespmem:s26+$0xFFFFFFC0];
	_ =	sdelay $0x4  }
0x2b1: {  	[tilespmem:v18+s0+$0x0] =	vst.idx.msk $0xffff, v17  }
0x2b2: {  	s1 =	sadd.s32 $0x7, s28;
	v18 =	vadd.s32 v14, v19;
	v17 =	vld [tilespmem:s26+$0xFFFFFFD0]  }
0x2b3: {  	v19 =	vmov s1  }
0x2b4: {  	v19 =	vshrl.u32 v19, $0x3  }
0x2b5: {  	v19 =	vshll.u32 v19, v1  }
0x2b6: {  	v19 =	vbroadcast v19, $0x0  }
0x2b7: {  	[tilespmem:v18+s0+$0x0] =	vst.idx.msk $0xffff, v17  }
0x2b8: {  	v18 =	vadd.s32 v15, v19;
	v17 =	vld [tilespmem:s26+$0xFFFFFFE0];
	_ =	sdelay $0x4  }
0x2b9: {  	[tilespmem:v18+s0+$0x0] =	vst.idx.msk $0xffff, v17  }
0x2ba: {  	s1 =	sadd.s32 $0x8, s28;
	v18 =	vadd.s32 v16, v19;
	v17 =	vld [tilespmem:s26+$0xFFFFFFF0]  }
0x2bb: {  	v19 =	vmov s1  }
0x2bc: {  	v19 =	vshrl.u32 v19, $0x3  }
0x2bd: {  	v19 =	vshll.u32 v19, v1  }
0x2be: {  	v19 =	vbroadcast v19, $0x0  }
0x2bf: {  	[tilespmem:v18+s0+$0x0] =	vst.idx.msk $0xffff, v17  }
0x2c0: {  	v18 =	vadd.s32 v0, v19;
	v17 =	vld [tilespmem:s26+$0x0];
	_ =	sdelay $0x4  }
0x2c1: {  	[tilespmem:v18+s0+$0x0] =	vst.idx.msk $0xffff, v17  }
0x2c2: {  	s1 =	sadd.s32 $0x9, s28;
	v18 =	vadd.s32 v2, v19;
	v17 =	vld [tilespmem:s26+$0x10]  }
0x2c3: {  	v19 =	vmov s1  }
0x2c4: {  	v19 =	vshrl.u32 v19, $0x3  }
0x2c5: {  	v19 =	vshll.u32 v19, v1  }
0x2c6: {  	v19 =	vbroadcast v19, $0x0  }
0x2c7: {  	[tilespmem:v18+s0+$0x0] =	vst.idx.msk $0xffff, v17  }
0x2c8: {  	v18 =	vadd.s32 v3, v19;
	v17 =	vld [tilespmem:s26+$0x20];
	_ =	sdelay $0x4  }
0x2c9: {  	[tilespmem:v18+s0+$0x0] =	vst.idx.msk $0xffff, v17  }
0x2ca: {  	s1 =	sadd.s32 $0xA, s28;
	v18 =	vadd.s32 v4, v19;
	v17 =	vld [tilespmem:s26+$0x30]  }
0x2cb: {  	v19 =	vmov s1  }
0x2cc: {  	v19 =	vshrl.u32 v19, $0x3  }
0x2cd: {  	v19 =	vshll.u32 v19, v1  }
0x2ce: {  	v19 =	vbroadcast v19, $0x0  }
0x2cf: {  	[tilespmem:v18+s0+$0x0] =	vst.idx.msk $0xffff, v17  }
0x2d0: {  	v18 =	vadd.s32 v5, v19;
	v17 =	vld [tilespmem:s26+$0x40];
	_ =	sdelay $0x4  }
0x2d1: {  	[tilespmem:v18+s0+$0x0] =	vst.idx.msk $0xffff, v17  }
0x2d2: {  	s1 =	sadd.s32 $0xB, s28;
	v18 =	vadd.s32 v6, v19;
	v17 =	vld [tilespmem:s26+$0x50]  }
0x2d3: {  	v19 =	vmov s1  }
0x2d4: {  	v19 =	vshrl.u32 v19, $0x3  }
0x2d5: {  	v19 =	vshll.u32 v19, v1  }
0x2d6: {  	v19 =	vbroadcast v19, $0x0  }
0x2d7: {  	[tilespmem:v18+s0+$0x0] =	vst.idx.msk $0xffff, v17  }
0x2d8: {  	v18 =	vadd.s32 v7, v19;
	v17 =	vld [tilespmem:s26+$0x60];
	_ =	sdelay $0x4  }
0x2d9: {  	[tilespmem:v18+s0+$0x0] =	vst.idx.msk $0xffff, v17  }
0x2da: {  	s1 =	sadd.s32 $0xC, s28;
	v18 =	vadd.s32 v8, v19;
	v17 =	vld [tilespmem:s26+$0x70]  }
0x2db: {  	v19 =	vmov s1  }
0x2dc: {  	v19 =	vshrl.u32 v19, $0x3  }
0x2dd: {  	v19 =	vshll.u32 v19, v1  }
0x2de: {  	v19 =	vbroadcast v19, $0x0  }
0x2df: {  	[tilespmem:v18+s0+$0x0] =	vst.idx.msk $0xffff, v17  }
0x2e0: {  	v18 =	vadd.s32 v9, v19;
	v17 =	vld [tilespmem:s26+$0x80];
	_ =	sdelay $0x4  }
0x2e1: {  	[tilespmem:v18+s0+$0x0] =	vst.idx.msk $0xffff, v17  }
0x2e2: {  	s1 =	sadd.s32 $0xD, s28;
	v18 =	vadd.s32 v10, v19;
	v17 =	vld [tilespmem:s26+$0x90]  }
0x2e3: {  	v19 =	vmov s1  }
0x2e4: {  	v19 =	vshrl.u32 v19, $0x3  }
0x2e5: {  	v19 =	vshll.u32 v19, v1  }
0x2e6: {  	v19 =	vbroadcast v19, $0x0  }
0x2e7: {  	[tilespmem:v18+s0+$0x0] =	vst.idx.msk $0xffff, v17  }
0x2e8: {  	v18 =	vadd.s32 v11, v19;
	v17 =	vld [tilespmem:s26+$0xA0];
	_ =	sdelay $0x4  }
0x2e9: {  	[tilespmem:v18+s0+$0x0] =	vst.idx.msk $0xffff, v17  }
0x2ea: {  	s1 =	sadd.s32 $0xE, s28;
	v18 =	vadd.s32 v12, v19;
	v17 =	vld [tilespmem:s26+$0xB0]  }
0x2eb: {  	v19 =	vmov s1  }
0x2ec: {  	v19 =	vshrl.u32 v19, $0x3  }
0x2ed: {  	v19 =	vshll.u32 v19, v1  }
0x2ee: {  	v19 =	vbroadcast v19, $0x0  }
0x2ef: {  	[tilespmem:v18+s0+$0x0] =	vst.idx.msk $0xffff, v17  }
0x2f0: {  	v18 =	vadd.s32 v13, v19;
	v17 =	vld [tilespmem:s26+$0xC0];
	_ =	sdelay $0x4  }
0x2f1: {  	[tilespmem:v18+s0+$0x0] =	vst.idx.msk $0xffff, v17  }
0x2f2: {  	s1 =	sadd.s32 $0xF, s28;
	s28 =	smov.u32 s29;
	v18 =	vadd.s32 v14, v19;
	v17 =	vld [tilespmem:s26+$0xD0]  }
0x2f3: {  	v19 =	vmov s1  }
0x2f4: {  	v19 =	vshrl.u32 v19, $0x3  }
0x2f5: {  	v19 =	vshll.u32 v19, v1  }
0x2f6: {  	v19 =	vbroadcast v19, $0x0  }
0x2f7: {  	[tilespmem:v18+s0+$0x0] =	vst.idx.msk $0xffff, v17  }
0x2f8: {  	v18 =	vadd.s32 v15, v19;
	v17 =	vld [tilespmem:s26+$0xE0];
	_ =	sdelay $0x2  }
.Ltmp1:
0x2f9: {  	(pc) =	sbr.rel @p0 .LBB2_5-.Ltmp1, $4  }
0x2fa: {  	_ = 	snop  }
0x2fb: {  	[tilespmem:v18+s0+$0x0] =	vst.idx.msk $0xffff, v17  }
0x2fc: {  	v18 =	vadd.s32 v16, v19;
	v17 =	vld [tilespmem:s26+$0xF0]  }
0x2fd: {  	s29 =	sadd.s32 $0x10, s29;
	v19 =	vmov s28  }
0x2fe: {  	_ = 	snop  }
0x2ff: {  	v19 =	vshrl.u32 v19, $0x3  }
0x300: {  	v19 =	vshll.u32 v19, v1  }
0x301: {  	v19 =	vbroadcast v19, $0x0  }
0x302: {  	s26 =	sadd.s32 $0x200, s26;
	[tilespmem:v18+s0+$0x0] =	vst.idx.msk $0xffff, v17  }
0x303: {  	v17 =	vld [tilespmem:s26+$0xFFFFFF00];
	v18 =	vadd.s32 v0, v19;
	_ =	sdelay $0x4  }
0x304: {  	[tilespmem:v18+s0+$0x0] =	vst.idx.msk $0xffff, v17  }
0x305: {  	s1 =	sadd.s32 $0x1, s28;
	v18 =	vadd.s32 v2, v19;
	v17 =	vld [tilespmem:s26+$0xFFFFFF10]  }
0x306: {  	v19 =	vmov s1  }
0x307: {  	v19 =	vshrl.u32 v19, $0x3  }
0x308: {  	v19 =	vshll.u32 v19, v1  }
0x309: {  	v19 =	vbroadcast v19, $0x0  }
0x30a: {  	[tilespmem:v18+s0+$0x0] =	vst.idx.msk $0xffff, v17  }
0x30b: {  	v18 =	vadd.s32 v3, v19;
	v17 =	vld [tilespmem:s26+$0xFFFFFF20];
	_ =	sdelay $0x4  }
0x30c: {  	[tilespmem:v18+s0+$0x0] =	vst.idx.msk $0xffff, v17  }
0x30d: {  	s29 =	sadd.s32 $0x2, s28;
	v18 =	vadd.s32 v4, v19;
	v17 =	vld [tilespmem:s26+$0xFFFFFF30]  }
0x30e: {  	v19 =	vmov s29  }
0x30f: {  	v19 =	vshrl.u32 v19, $0x3  }
0x310: {  	v19 =	vshll.u32 v19, v1  }
0x311: {  	v19 =	vbroadcast v19, $0x0  }
0x312: {  	[tilespmem:v18+s0+$0x0] =	vst.idx.msk $0xffff, v17  }
0x313: {  	v18 =	vadd.s32 v5, v19;
	v17 =	vld [tilespmem:s26+$0xFFFFFF40];
	_ =	sdelay $0x4  }
0x314: {  	[tilespmem:v18+s0+$0x0] =	vst.idx.msk $0xffff, v17  }
0x315: {  	s30 =	sadd.s32 $0x3, s28;
	v18 =	vadd.s32 v6, v19;
	v17 =	vld [tilespmem:s26+$0xFFFFFF50]  }
0x316: {  	v19 =	vmov s30  }
0x317: {  	v19 =	vshrl.u32 v19, $0x3  }
0x318: {  	v19 =	vshll.u32 v19, v1  }
0x319: {  	v19 =	vbroadcast v19, $0x0  }
0x31a: {  	[tilespmem:v18+s0+$0x0] =	vst.idx.msk $0xffff, v17  }
0x31b: {  	v18 =	vadd.s32 v7, v19;
	v17 =	vld [tilespmem:s26+$0xFFFFFF60];
	_ =	sdelay $0x4  }
0x31c: {  	[tilespmem:v18+s0+$0x0] =	vst.idx.msk $0xffff, v17  }
0x31d: {  	s29 =	sadd.s32 $0x4, s28;
	v18 =	vadd.s32 v8, v19;
	v17 =	vld [tilespmem:s26+$0xFFFFFF70]  }
0x31e: {  	v19 =	vmov s29  }
0x31f: {  	v19 =	vshrl.u32 v19, $0x3  }
0x320: {  	v19 =	vshll.u32 v19, v1  }
0x321: {  	v19 =	vbroadcast v19, $0x0  }
0x322: {  	[tilespmem:v18+s0+$0x0] =	vst.idx.msk $0xffff, v17  }
0x323: {  	v18 =	vadd.s32 v9, v19;
	v17 =	vld [tilespmem:s26+$0xFFFFFF80];
	_ =	sdelay $0x4  }
0x324: {  	[tilespmem:v18+s0+$0x0] =	vst.idx.msk $0xffff, v17  }
0x325: {  	s30 =	sadd.s32 $0x5, s28;
	v18 =	vadd.s32 v10, v19;
	v17 =	vld [tilespmem:s26+$0xFFFFFF90]  }
0x326: {  	v19 =	vmov s30  }
0x327: {  	v19 =	vshrl.u32 v19, $0x3  }
0x328: {  	v19 =	vshll.u32 v19, v1  }
0x329: {  	v19 =	vbroadcast v19, $0x0  }
0x32a: {  	[tilespmem:v18+s0+$0x0] =	vst.idx.msk $0xffff, v17  }
0x32b: {  	v18 =	vadd.s32 v11, v19;
	v17 =	vld [tilespmem:s26+$0xFFFFFFA0];
	_ =	sdelay $0x4  }
0x32c: {  	[tilespmem:v18+s0+$0x0] =	vst.idx.msk $0xffff, v17  }
0x32d: {  	s29 =	sadd.s32 $0x6, s28;
	v18 =	vadd.s32 v12, v19;
	v17 =	vld [tilespmem:s26+$0xFFFFFFB0]  }
0x32e: {  	v19 =	vmov s29  }
0x32f: {  	v19 =	vshrl.u32 v19, $0x3  }
0x330: {  	v19 =	vshll.u32 v19, v1  }
0x331: {  	v19 =	vbroadcast v19, $0x0  }
0x332: {  	[tilespmem:v18+s0+$0x0] =	vst.idx.msk $0xffff, v17  }
0x333: {  	v18 =	vadd.s32 v13, v19;
	v17 =	vld [tilespmem:s26+$0xFFFFFFC0];
	_ =	sdelay $0x4  }
0x334: {  	[tilespmem:v18+s0+$0x0] =	vst.idx.msk $0xffff, v17  }
0x335: {  	s30 =	sadd.s32 $0x7, s28;
	v18 =	vadd.s32 v14, v19;
	v17 =	vld [tilespmem:s26+$0xFFFFFFD0]  }
0x336: {  	v19 =	vmov s30  }
0x337: {  	v19 =	vshrl.u32 v19, $0x3  }
0x338: {  	v19 =	vshll.u32 v19, v1  }
0x339: {  	v19 =	vbroadcast v19, $0x0  }
0x33a: {  	[tilespmem:v18+s0+$0x0] =	vst.idx.msk $0xffff, v17  }
0x33b: {  	v18 =	vadd.s32 v15, v19;
	v17 =	vld [tilespmem:s26+$0xFFFFFFE0];
	_ =	sdelay $0x4  }
0x33c: {  	[tilespmem:v18+s0+$0x0] =	vst.idx.msk $0xffff, v17  }
0x33d: {  	s29 =	sadd.s32 $0x8, s28;
	v18 =	vadd.s32 v16, v19;
	v17 =	vld [tilespmem:s26+$0xFFFFFFF0]  }
0x33e: {  	v19 =	vmov s29  }
0x33f: {  	v19 =	vshrl.u32 v19, $0x3  }
0x340: {  	v19 =	vshll.u32 v19, v1  }
0x341: {  	v19 =	vbroadcast v19, $0x0  }
0x342: {  	[tilespmem:v18+s0+$0x0] =	vst.idx.msk $0xffff, v17  }
0x343: {  	v18 =	vadd.s32 v0, v19;
	v17 =	vld [tilespmem:s26+$0x0];
	_ =	sdelay $0x4  }
0x344: {  	[tilespmem:v18+s0+$0x0] =	vst.idx.msk $0xffff, v17  }
0x345: {  	s30 =	sadd.s32 $0x9, s28;
	v18 =	vadd.s32 v2, v19;
	v17 =	vld [tilespmem:s26+$0x10]  }
0x346: {  	v19 =	vmov s30  }
0x347: {  	v19 =	vshrl.u32 v19, $0x3  }
0x348: {  	v19 =	vshll.u32 v19, v1  }
0x349: {  	v19 =	vbroadcast v19, $0x0  }
0x34a: {  	[tilespmem:v18+s0+$0x0] =	vst.idx.msk $0xffff, v17  }
0x34b: {  	v18 =	vadd.s32 v3, v19;
	v17 =	vld [tilespmem:s26+$0x20];
	_ =	sdelay $0x4  }
0x34c: {  	[tilespmem:v18+s0+$0x0] =	vst.idx.msk $0xffff, v17  }
0x34d: {  	s29 =	sadd.s32 $0xA, s28;
	v18 =	vadd.s32 v4, v19;
	v17 =	vld [tilespmem:s26+$0x30]  }
0x34e: {  	v19 =	vmov s29  }
0x34f: {  	v19 =	vshrl.u32 v19, $0x3  }
0x350: {  	v19 =	vshll.u32 v19, v1  }
0x351: {  	v19 =	vbroadcast v19, $0x0  }
0x352: {  	[tilespmem:v18+s0+$0x0] =	vst.idx.msk $0xffff, v17  }
0x353: {  	v18 =	vadd.s32 v5, v19;
	v17 =	vld [tilespmem:s26+$0x40];
	_ =	sdelay $0x4  }
0x354: {  	[tilespmem:v18+s0+$0x0] =	vst.idx.msk $0xffff, v17  }
0x355: {  	s30 =	sadd.s32 $0xB, s28;
	v18 =	vadd.s32 v6, v19;
	v17 =	vld [tilespmem:s26+$0x50]  }
0x356: {  	v19 =	vmov s30  }
0x357: {  	v19 =	vshrl.u32 v19, $0x3  }
0x358: {  	v19 =	vshll.u32 v19, v1  }
0x359: {  	v19 =	vbroadcast v19, $0x0  }
0x35a: {  	[tilespmem:v18+s0+$0x0] =	vst.idx.msk $0xffff, v17  }
0x35b: {  	v18 =	vadd.s32 v7, v19;
	v17 =	vld [tilespmem:s26+$0x60];
	_ =	sdelay $0x4  }
0x35c: {  	[tilespmem:v18+s0+$0x0] =	vst.idx.msk $0xffff, v17  }
0x35d: {  	s29 =	sadd.s32 $0xC, s28;
	v18 =	vadd.s32 v8, v19;
	v17 =	vld [tilespmem:s26+$0x70]  }
0x35e: {  	v19 =	vmov s29  }
0x35f: {  	v19 =	vshrl.u32 v19, $0x3  }
0x360: {  	v19 =	vshll.u32 v19, v1  }
0x361: {  	v19 =	vbroadcast v19, $0x0  }
0x362: {  	[tilespmem:v18+s0+$0x0] =	vst.idx.msk $0xffff, v17  }
0x363: {  	v18 =	vadd.s32 v9, v19;
	v17 =	vld [tilespmem:s26+$0x80];
	_ =	sdelay $0x4  }
0x364: {  	[tilespmem:v18+s0+$0x0] =	vst.idx.msk $0xffff, v17  }
0x365: {  	s30 =	sadd.s32 $0xD, s28;
	v18 =	vadd.s32 v10, v19;
	v17 =	vld [tilespmem:s26+$0x90]  }
0x366: {  	v19 =	vmov s30  }
0x367: {  	v19 =	vshrl.u32 v19, $0x3  }
0x368: {  	v19 =	vshll.u32 v19, v1  }
0x369: {  	v19 =	vbroadcast v19, $0x0  }
0x36a: {  	[tilespmem:v18+s0+$0x0] =	vst.idx.msk $0xffff, v17  }
0x36b: {  	v18 =	vadd.s32 v11, v19;
	v17 =	vld [tilespmem:s26+$0xA0];
	_ =	sdelay $0x4  }
0x36c: {  	[tilespmem:v18+s0+$0x0] =	vst.idx.msk $0xffff, v17  }
0x36d: {  	s29 =	sadd.s32 $0xE, s28;
	v18 =	vadd.s32 v12, v19;
	v17 =	vld [tilespmem:s26+$0xB0]  }
0x36e: {  	v19 =	vmov s29  }
0x36f: {  	v19 =	vshrl.u32 v19, $0x3  }
0x370: {  	v19 =	vshll.u32 v19, v1  }
0x371: {  	v19 =	vbroadcast v19, $0x0  }
0x372: {  	[tilespmem:v18+s0+$0x0] =	vst.idx.msk $0xffff, v17  }
0x373: {  	v18 =	vadd.s32 v13, v19;
	v17 =	vld [tilespmem:s26+$0xC0];
	_ =	sdelay $0x4  }
0x374: {  	[tilespmem:v18+s0+$0x0] =	vst.idx.msk $0xffff, v17  }
0x375: {  	s30 =	sadd.s32 $0xF, s28;
	v18 =	vadd.s32 v14, v19;
	v17 =	vld [tilespmem:s26+$0xD0]  }
0x376: {  	v19 =	vmov s30  }
0x377: {  	v19 =	vshrl.u32 v19, $0x3  }
0x378: {  	v19 =	vshll.u32 v19, v1  }
0x379: {  	v19 =	vbroadcast v19, $0x0  }
0x37a: {  	[tilespmem:v18+s0+$0x0] =	vst.idx.msk $0xffff, v17  }
0x37b: {  	v18 =	vadd.s32 v15, v19;
	v17 =	vld [tilespmem:s26+$0xE0];
	_ =	sdelay $0x4  }
0x37c: {  	[tilespmem:v18+s0+$0x0] =	vst.idx.msk $0xffff, v17  }
0x37d: {  	v18 =	vadd.s32 v16, v19;
	v17 =	vld [tilespmem:s26+$0xF0];
	_ =	sdelay $0x1  }
0x37e: {  	s28 =	sshll.u32 s15, $0x11  }
0x37f: {  	s1 =	sor.u32 s4, s28  }
0x380: {  	s1 =	sshrl.u32 s1, $0x3  }
0x381: {  	s15 =	sadd.s32 s2, s1;
	[tilespmem:v18+s0+$0x0] =	vst.idx.msk $0xffff, v17  }
0x382: {  	[hbm4b:s15+s3] =	stream.linear.scatter [tilespmem:s0], [sflag:$0x4], $0x80, $0x38;
	[tilespmem:$0xA600] =	vst v63  }
0x383: {  	s29 =	sadd.s32 $0x10, s15;
	s30 =	simm.s32 $0x9588  }
0x384: {  	[hbm4b:s29+s3] =	stream.linear.scatter [tilespmem:s30], [sflag:$0x4], $0x80, $0x38;
	[tilespmem:$0xA600] =	vst v63  }
0x385: {  	s29 =	sadd.s32 $0x20, s15;
	s30 =	simm.s32 $0x9610  }
0x386: {  	[hbm4b:s29+s3] =	stream.linear.scatter [tilespmem:s30], [sflag:$0x4], $0x80, $0x38;
	[tilespmem:$0xA600] =	vst v63  }
0x387: {  	s29 =	sadd.s32 $0x30, s15;
	s30 =	simm.s32 $0x9698  }
0x388: {  	[hbm4b:s29+s3] =	stream.linear.scatter [tilespmem:s30], [sflag:$0x4], $0x80, $0x38;
	[tilespmem:$0xA600] =	vst v63  }
0x389: {  	s29 =	sadd.s32 $0x40, s15;
	s30 =	simm.s32 $0x9720  }
0x38a: {  	[hbm4b:s29+s3] =	stream.linear.scatter [tilespmem:s30], [sflag:$0x4], $0x80, $0x38;
	[tilespmem:$0xA600] =	vst v63  }
0x38b: {  	s29 =	sadd.s32 $0x50, s15;
	s30 =	simm.s32 $0x97A8  }
0x38c: {  	[hbm4b:s29+s3] =	stream.linear.scatter [tilespmem:s30], [sflag:$0x4], $0x80, $0x38;
	[tilespmem:$0xA600] =	vst v63  }
0x38d: {  	s29 =	sadd.s32 $0x60, s15;
	s30 =	simm.s32 $0x9830  }
0x38e: {  	[hbm4b:s29+s3] =	stream.linear.scatter [tilespmem:s30], [sflag:$0x4], $0x80, $0x38;
	[tilespmem:$0xA600] =	vst v63  }
0x38f: {  	s28 =	simm.s32 $0x98B8;
	s15 =	sadd.s32 $0x70, s15  }
0x390: {  	[hbm4b:s15+s3] =	stream.linear.scatter [tilespmem:s28], [sflag:$0x4], $0x80, $0x38;
	[tilespmem:$0xA600] =	vst v63  }
0x391: {  	s29 =	simm.s32 $0x9940;
	s15 =	sadd.s32 s1, s7  }
0x392: {  	[hbm4b:s15+s3] =	stream.linear.scatter [tilespmem:s29], [sflag:$0x4], $0x80, $0x38;
	[tilespmem:$0xA600] =	vst v63  }
0x393: {  	s30 =	sadd.s32 $0x10, s15;
	s29 =	simm.s32 $0x99C8  }
0x394: {  	[hbm4b:s30+s3] =	stream.linear.scatter [tilespmem:s29], [sflag:$0x4], $0x80, $0x38;
	[tilespmem:$0xA600] =	vst v63  }
0x395: {  	s30 =	sadd.s32 $0x20, s15;
	s29 =	simm.s32 $0x9A50  }
0x396: {  	[hbm4b:s30+s3] =	stream.linear.scatter [tilespmem:s29], [sflag:$0x4], $0x80, $0x38;
	[tilespmem:$0xA600] =	vst v63  }
0x397: {  	s30 =	sadd.s32 $0x30, s15;
	s29 =	simm.s32 $0x9AD8  }
0x398: {  	[hbm4b:s30+s3] =	stream.linear.scatter [tilespmem:s29], [sflag:$0x4], $0x80, $0x38;
	[tilespmem:$0xA600] =	vst v63  }
0x399: {  	s30 =	sadd.s32 $0x40, s15;
	s29 =	simm.s32 $0x9B60  }
0x39a: {  	[hbm4b:s30+s3] =	stream.linear.scatter [tilespmem:s29], [sflag:$0x4], $0x80, $0x38;
	[tilespmem:$0xA600] =	vst v63  }
0x39b: {  	s30 =	sadd.s32 $0x50, s15;
	s29 =	simm.s32 $0x9BE8  }
0x39c: {  	[hbm4b:s30+s3] =	stream.linear.scatter [tilespmem:s29], [sflag:$0x4], $0x80, $0x38;
	[tilespmem:$0xA600] =	vst v63  }
0x39d: {  	s30 =	sadd.s32 $0x60, s15;
	s29 =	simm.s32 $0x9C70  }
0x39e: {  	[hbm4b:s30+s3] =	stream.linear.scatter [tilespmem:s29], [sflag:$0x4], $0x80, $0x38;
	[tilespmem:$0xA600] =	vst v63  }
0x39f: {  	s15 =	sadd.s32 $0x70, s15;
	s30 =	simm.s32 $0x9CF8  }
0x3a0: {  	[hbm4b:s15+s3] =	stream.linear.scatter [tilespmem:s30], [sflag:$0x4], $0x80, $0x38;
	[tilespmem:$0xA600] =	vst v63  }
0x3a1: {  	s28 =	simm.s32 $0x9D80;
	s15 =	sadd.s32 s1, s8  }
0x3a2: {  	[hbm4b:s15+s3] =	stream.linear.scatter [tilespmem:s28], [sflag:$0x4], $0x80, $0x38;
	[tilespmem:$0xA600] =	vst v63  }
0x3a3: {  	s30 =	simm.s32 $0x9E08;
	s29 =	sadd.s32 $0x10, s15  }
0x3a4: {  	[hbm4b:s29+s3] =	stream.linear.scatter [tilespmem:s30], [sflag:$0x4], $0x80, $0x38;
	[tilespmem:$0xA600] =	vst v63  }
0x3a5: {  	s29 =	sadd.s32 $0x20, s15;
	s30 =	simm.s32 $0x9E90  }
0x3a6: {  	[hbm4b:s29+s3] =	stream.linear.scatter [tilespmem:s30], [sflag:$0x4], $0x80, $0x38;
	[tilespmem:$0xA600] =	vst v63  }
0x3a7: {  	s29 =	sadd.s32 $0x30, s15;
	s30 =	simm.s32 $0x9F18  }
0x3a8: {  	[hbm4b:s29+s3] =	stream.linear.scatter [tilespmem:s30], [sflag:$0x4], $0x80, $0x38;
	[tilespmem:$0xA600] =	vst v63  }
0x3a9: {  	s29 =	sadd.s32 $0x40, s15  }
0x3aa: {  	[hbm4b:s29+s3] =	stream.linear.scatter [tilespmem:s11], [sflag:$0x4], $0x80, $0x38;
	[tilespmem:$0xA600] =	vst v63  }
0x3ab: {  	s30 =	sadd.s32 $0x50, s15  }
0x3ac: {  	[hbm4b:s30+s3] =	stream.linear.scatter [tilespmem:s12], [sflag:$0x4], $0x80, $0x38;
	[tilespmem:$0xA600] =	vst v63  }
0x3ad: {  	s28 =	sadd.s32 $0x60, s15  }
0x3ae: {  	[hbm4b:s28+s3] =	stream.linear.scatter [tilespmem:s6], [sflag:$0x4], $0x80, $0x38;
	[tilespmem:$0xA600] =	vst v63  }
0x3af: {  	s15 =	sadd.s32 $0x70, s15  }
0x3b0: {  	[hbm4b:s15+s3] =	stream.linear.scatter [tilespmem:s10], [sflag:$0x4], $0x80, $0x38;
	[tilespmem:$0xA600] =	vst v63  }
0x3b1: {  	s1 =	sadd.s32 s1, s9  }
0x3b2: {  	[hbm4b:s1+s3] =	stream.linear.scatter [tilespmem:s13], [sflag:$0x4], $0x80, $0x38;
	[tilespmem:$0xA600] =	vst v63  }
0x3b3: {  	s29 =	sadd.s32 $0x10, s1  }
0x3b4: {  	[hbm4b:s29+s3] =	stream.linear.scatter [tilespmem:s16], [sflag:$0x4], $0x80, $0x38;
	[tilespmem:$0xA600] =	vst v63  }
0x3b5: {  	s30 =	sadd.s32 $0x20, s1  }
0x3b6: {  	[hbm4b:s30+s3] =	stream.linear.scatter [tilespmem:s19], [sflag:$0x4], $0x80, $0x38;
	[tilespmem:$0xA600] =	vst v63  }
0x3b7: {  	s26 =	sadd.s32 $0x30, s1  }
0x3b8: {  	[hbm4b:s26+s3] =	stream.linear.scatter [tilespmem:s20], [sflag:$0x4], $0x80, $0x38;
	[tilespmem:$0xA600] =	vst v63  }
0x3b9: {  	s25 =	sadd.s32 $0x1, s25;
	s28 =	sadd.s32 $0x40, s1  }
0x3ba: {  	[hbm4b:s28+s3] =	stream.linear.scatter [tilespmem:s21], [sflag:$0x4], $0x80, $0x38;
	[tilespmem:$0xA600] =	vst v63  }
0x3bb: {  	p0 =	sne.s32 s25, $0x64;
	s29 =	sadd.s32 $0x50, s1  }
0x3bc: {  	[hbm4b:s29+s3] =	stream.linear.scatter [tilespmem:s22], [sflag:$0x4], $0x80, $0x38;
	[tilespmem:$0xA600] =	vst v63  }
.Ltmp2:
0x3bd: {  	_ = 	snop;
	(pc) =	sbr.rel @p0 .LBB2_2-.Ltmp2, $4  }
0x3be: {  	s30 =	sadd.s32 $0x60, s1  }
0x3bf: {  	[hbm4b:s30+s3] =	stream.linear.scatter [tilespmem:s23], [sflag:$0x4], $0x80, $0x38;
	[tilespmem:$0xA600] =	vst v63  }
0x3c0: {  	s1 =	sadd.s32 $0x70, s1  }
0x3c1: {  	[hbm4b:s1+s3] =	stream.linear.scatter [tilespmem:s24], [sflag:$0x4], $0x80, $0x38;
	[tilespmem:$0xA600] =	vst v63  }
0x3c2: {  	s1 =	simm.s32 $0x3  }
0x3c3: {  	_ =	swait.ge [sflag:s1], $0x400  }
0x3c4: {  	[sflag:s1] =	ssyncset.done $0x0  }
0x3c5: {  	[sflag:s1] =	ssyncadd.s32 $0xFFFFFC00  }
0x3c6: {  	_ =	swait.ge [sflag:s1], $0x400  }
0x3c7: {  	[sflag:s1] =	ssyncset.done $0x0  }
0x3c8: {  	[sflag:s1] =	ssyncadd.s32 $0xFFFFFC00  }
0x3c9: {  	_ =	swait.ge [sflag:s1], $0x400  }
0x3ca: {  	[sflag:s1] =	ssyncset.done $0x0  }
0x3cb: {  	[sflag:s1] =	ssyncadd.s32 $0xFFFFFC00  }
0x3cc: {  	_ =	swait.ge [sflag:s1], $0x400  }
0x3cd: {  	[sflag:s1] =	ssyncset.done $0x0  }
0x3ce: {  	s29 =	simm.s32 $0x4;
	[sflag:s1] =	ssyncadd.s32 $0xFFFFFC00  }
0x3cf: {  	_ =	swait.ge [sflag:s29], $0x400  }
0x3d0: {  	[sflag:s29] =	ssyncset.done $0x0  }
0x3d1: {  	[sflag:s29] =	ssyncadd.s32 $0xFFFFFC00  }
0x3d2: {  	_ =	swait.ge [sflag:s29], $0x400  }
0x3d3: {  	[sflag:s29] =	ssyncset.done $0x0  }
0x3d4: {  	[sflag:s29] =	ssyncadd.s32 $0xFFFFFC00  }
0x3d5: {  	_ =	swait.ge [sflag:s29], $0x400  }
0x3d6: {  	[sflag:s29] =	ssyncset.done $0x0  }
0x3d7: {  	[sflag:s29] =	ssyncadd.s32 $0xFFFFFC00  }
0x3d8: {  	_ =	swait.ge [sflag:s29], $0x400  }
0x3d9: {  	[sflag:s29] =	ssyncset.done $0x0  }
0x3da: {  	[sflag:s29] =	ssyncadd.s32 $0xFFFFFC00  }
0x3db: {  	_ =	swait.ge [sflag:s17], $0x1000  }
0x3dc: {  	s15 =	rddreg [dreg:$0x6]  }
0x3dd: {  	s30 =	rddreg [dreg:$0x5];
	s15 =	sadd.s32 $0x1, s15  }
0x3de: {  	p0 =	sne.s32 s15, s30  }
.Ltmp3:
0x3df: {  	_ = 	snop;
	(pc) =	sbr.rel @p0 .LBB2_1-.Ltmp3, $3  }
0x3e0: {  	_ =	sdelay $0x1  }
0x3e1: {  	[sflag:s17] =	ssyncset.done $0x0  }
0x3e2: {  	[sflag:s17] =	ssyncadd.s32 $0xFFFFF000  }
0x3e3: {  	_ =	sfence.sel $0x180000  }
0x3e4: {  	[bflag:$0x0] =	sbarrier.arrive $0xFFFF  }
0x3e5: {  	_ =	strace $0x90000047  }
0x3e6: {  	s0 =	stileid.u32;
	[bflag:$0x2] =	sbarrier.arrive $0xFFFF  }
0x3e7: {  	p0 =	sne.s32 s0, $0x0;
	s0 =	rddreg [dreg:$0x3]  }
0x3e8: {  	s0 =	sadd.s32 @!p0 $0x100000, s0  }
0x3e9: {  	[sflag:s0] =	ssyncadd.tile.s32 @!p0 $0x1;
	_ =	shalt  }
.Lfunc_end2:
_tile_overlayer_lowered:
.L_overlay_start_2:
0x3ea: {  	(tag) =	ssettag $0x2  }
0x3eb: {  	s0 =	rddreg [dreg:$0x0];
	s2 =	stileid.u32  }
0x3ec: {  	s1 =	rddreg [dreg:$0x1];
	p0 =	sne.s32 s2, $0x0  }
0x3ed: {  	s3 =	rddreg [dreg:$0x2];
	[bflag:$0x3] =	sbarrier.arrive $0xFFFF;
	s2 =	simm.s32 @!p0 $0x1C05  }
0x3ee: {  	[timem:s3], [sflag:s2] =	dma.local @!p0 [hbm:s0], s1  }
0x3ef: {  	s0 =	simm.s32 @!p0 $0x5  }
0x3f0: {  	_ =	swait.ge @!p0 [sflag:s0], s1  }
0x3f1: {  	s1 =	ssub.s32 @!p0 $0x0, s1;
	[sflag:s0] =	ssyncset.done @!p0 $0x0  }
0x3f2: {  	[sflag:s0] =	ssyncadd.s32 @!p0 s1  }
0x3f3: {  	[bflag:$0x3] =	sbarrier.arrive $0xFFFF  }
0x3f4: {  	_ =	shalt  }

</sc_bundles>
